<compile_context>
chip_gen: v7x
topology: tpu7x:2x2x1
jax: 0.10.2.dev20260603
libtpu: 0.0.44.dev20260713+nightly
codegen_flags: <defaults>
</compile_context>

<pallas_src>
import functools

import jax
import jax.numpy as jnp
from jax import lax
from jax.experimental import pallas as pl
from jax.experimental.pallas import tpu as pltpu
from jax.experimental.pallas import tpu_sc as plsc

N = 10000
D = 128
E = 320000

NC = 2
NS = 16
NW = NC * NS

CHUNK = 128
CPT = 80
HCPT = CPT // 2
HPAIR = HCPT // 2
NCHUNKS_P = NW * CPT
NCHUNKS = E // CHUNK
RPT = 72
EXTRA_BASE = NW * RPT
EPW = CPT - RPT
NEXTRA = NW * EPW
NPADC = NCHUNKS_P - NCHUNKS
NDUMP = 512
NACC = N + NDUMP

ROWS_A = 624
ROWS_REM = N - NS * ROWS_A
ZTAIL = ROWS_A - 4 * CHUNK


def _sc_partial_segment_sum(x, ei3, ex3):
    mesh = plsc.VectorSubcoreMesh(core_axis_name="c", subcore_axis_name="s")

    @functools.partial(
        pl.kernel,
        out_type=jax.ShapeDtypeStruct((NC, N, D), jnp.float32),
        mesh=mesh,
        scratch_types=[
            pltpu.VMEM_SHARED((NACC, D), jnp.float32),
            pltpu.VMEM((HCPT, CHUNK), jnp.int32),
            pltpu.VMEM((HCPT, CHUNK), jnp.int32),
            pltpu.VMEM((CHUNK, D), jnp.float32),
            pltpu.VMEM((CHUNK, D), jnp.float32),
            pltpu.SemaphoreType.DMA,
            pltpu.SemaphoreType.DMA,
            pltpu.SemaphoreType.DMA,
            pltpu.SemaphoreType.DMA,
            pltpu.SemaphoreType.DMA,
            pltpu.SemaphoreType.DMA,
        ],
    )
    def k(x_hbm, ei_hbm, ex_hbm, out_hbm, acc, srcb, dstb, rows0, rows1,
          gsem0, gsem1, ssem0, ssem1, zsem0, zsem1):
        c = lax.axis_index("c")
        s = lax.axis_index("s")
        w = c * NS + s

        def idx_load_h0(sem_pair_start):
            cps = [
                pltpu.make_async_copy(ei_hbm.at[0, pl.ds(w * RPT, HCPT)],
                                      srcb, gsem0),
                pltpu.make_async_copy(ei_hbm.at[1, pl.ds(w * RPT, HCPT)],
                                      dstb, gsem1),
            ]
            for cp in cps:
                cp.start() if sem_pair_start else cp.wait()

        idx_load_h0(True)

        zeros16 = jnp.zeros((16,), jnp.float32)

        @pl.loop(0, CHUNK)
        def _(r):
            @pl.loop(0, D, step=16)
            def _(cc):
                rows0[r, pl.ds(cc, 16)] = zeros16

        def zero_copies(start):
            cps = [
                pltpu.make_async_copy(
                    rows0, acc.at[pl.ds(s * ROWS_A + r0, CHUNK)], ssem0)
                for r0 in range(0, 4 * CHUNK, CHUNK)
            ]
            cps.append(pltpu.make_async_copy(
                rows0.at[pl.ds(0, ZTAIL)],
                acc.at[pl.ds(s * ROWS_A + 4 * CHUNK, ZTAIL)], ssem1))
            for cp in cps:
                cp.start() if start else cp.wait()

        zero_copies(True)
        zero_copies(False)

        @pl.when(s == 0)
        def _():
            pltpu.sync_copy(rows0.at[pl.ds(0, ROWS_REM)],
                            acc.at[pl.ds(NS * ROWS_A, ROWS_REM)])

        plsc.subcore_barrier()
        idx_load_h0(False)

        def gather(t, rbuf, sem):
            return pltpu.make_async_copy(x_hbm.at[srcb.at[t]], rbuf, sem)

        def scatter(t, rbuf, sem):
            return pltpu.make_async_copy(rbuf, acc.at[dstb.at[t]], sem)

        def pipeline_half():
            gather(0, rows0, gsem0).start()

            @pl.loop(0, HPAIR)
            def _(p):
                t0 = 2 * p
                t1 = t0 + 1
                gather(t0, rows0, gsem0).wait()
                gather(t1, rows1, gsem1).start()
                scatter(t0, rows0, zsem0).start(add=True)
                gather(t1, rows1, gsem1).wait()
                scatter(t1, rows1, zsem1).start(add=True)
                scatter(t0, rows0, zsem0).wait()

                @pl.when(p < HPAIR - 1)
                def _():
                    gather(t0 + 2, rows0, gsem0).start()

                scatter(t1, rows1, zsem1).wait()

        pipeline_half()

        r2 = RPT - HCPT

        def idx_load_h1(start):
            cps = [
                pltpu.make_async_copy(ei_hbm.at[0, pl.ds(w * RPT + HCPT, r2)],
                                      srcb.at[pl.ds(0, r2)], gsem0),
                pltpu.make_async_copy(ei_hbm.at[1, pl.ds(w * RPT + HCPT, r2)],
                                      dstb.at[pl.ds(0, r2)], gsem1),
                pltpu.make_async_copy(ex_hbm.at[0, pl.ds(w * EPW, EPW)],
                                      srcb.at[pl.ds(r2, EPW)], ssem0),
                pltpu.make_async_copy(ex_hbm.at[1, pl.ds(w * EPW, EPW)],
                                      dstb.at[pl.ds(r2, EPW)], ssem1),
            ]
            for cp in cps:
                cp.start() if start else cp.wait()

        idx_load_h1(True)
        idx_load_h1(False)

        pipeline_half()

        plsc.subcore_barrier()

        pltpu.sync_copy(
            acc.at[pl.ds(s * ROWS_A, ROWS_A)],
            out_hbm.at[c, pl.ds(s * ROWS_A, ROWS_A)],
        )

        @pl.when(s == 0)
        def _():
            pltpu.sync_copy(
                acc.at[pl.ds(NS * ROWS_A, ROWS_REM)],
                out_hbm.at[c, pl.ds(NS * ROWS_A, ROWS_REM)],
            )

    return k(x, ei3, ex3)


def _tc_mlp_body(eps_ref, x_ref, a0_ref, a1_ref, w1_ref, b1_ref, w2_ref,
                 b2_ref, o_ref, *, relu_out):
    h = (1.0 + eps_ref[0, 0]) * x_ref[...] + a0_ref[...] + a1_ref[...]
    h = jnp.dot(h, w1_ref[...], preferred_element_type=jnp.float32)
    h = jnp.maximum(h + b1_ref[...], 0.0)
    o = jnp.dot(h, w2_ref[...], preferred_element_type=jnp.float32)
    o = o + b2_ref[...]
    if relu_out:
        o = jnp.maximum(o, 0.0)
    o_ref[...] = o


def _tc_gin_mlp(x, agg_partials, w1, b1, w2, b2, eps, relu_out):
    blk = 2000
    body = functools.partial(_tc_mlp_body, relu_out=relu_out)
    return pl.pallas_call(
        body,
        grid=(N // blk,),
        in_specs=[
            pl.BlockSpec((1, 1), lambda i: (0, 0), memory_space=pltpu.SMEM),
            pl.BlockSpec((blk, D), lambda i: (i, 0)),
            pl.BlockSpec((blk, D), lambda i: (i, 0)),
            pl.BlockSpec((blk, D), lambda i: (i, 0)),
            pl.BlockSpec((D, D), lambda i: (0, 0)),
            pl.BlockSpec((1, D), lambda i: (0, 0)),
            pl.BlockSpec((D, D), lambda i: (0, 0)),
            pl.BlockSpec((1, D), lambda i: (0, 0)),
        ],
        out_specs=pl.BlockSpec((blk, D), lambda i: (i, 0)),
        out_shape=jax.ShapeDtypeStruct((N, D), jnp.float32),
    )(
        eps.reshape(1, 1), x, agg_partials[0], agg_partials[1],
        w1, b1.reshape(1, D), w2, b2.reshape(1, D),
    )


def kernel(features, edge_index, W1a, b1a, W2a, b2a, eps1,
           W1b, b1b, W2b, b2b, eps2):
    real3 = edge_index.reshape(2, NCHUNKS, CHUNK)
    i = jnp.arange(NPADC * CHUNK, dtype=jnp.int32)
    pads = jnp.stack([(i * 37) % N, N + (i * 7) % NDUMP]).reshape(2, NPADC,
                                                                  CHUNK)
    ex3 = jnp.concatenate([real3[:, EXTRA_BASE:], pads], axis=1)

    agg1 = _sc_partial_segment_sum(features, real3, ex3)
    x1 = _tc_gin_mlp(features, agg1, W1a, b1a, W2a, b2a, eps1, relu_out=True)
    agg2 = _sc_partial_segment_sum(x1, real3, ex3)
    return _tc_gin_mlp(x1, agg2, W1b, b1b, W2b, b2b, eps2, relu_out=False)

# --- scband reference (transcript-rebuilt; emitter-appended) ---
"""Pipeline reference for scband-ginnet-geom-11269994184788 (READ-ONLY COPY).

The authoritative reference and input builder live on the scoring server;
editing this copy changes nothing except your own understanding.
"""

import jax, jax.numpy as jnp
import numpy as np

N = 10000
E = 320000
D = 128


def setup_inputs(seed: int = 0) -> dict:
    key = jax.random.key(seed)
    ks = jax.random.split(key, 12)
    s = 1.0 / np.sqrt(D)
    inp = {
        "features": jax.random.normal(ks[0], (N, D), dtype=jnp.float32),
        "edge_index": jax.random.randint(ks[1], (2, E), 0, N, dtype=jnp.int32),
        # GIN layer 1 MLP: Linear(D,D) -> ReLU -> Linear(D,D), plus trainable eps (init 0)
        "W1a": jax.random.uniform(ks[2], (D, D), jnp.float32, -s, s),
        "b1a": jax.random.uniform(ks[3], (D,), jnp.float32, -s, s),
        "W2a": jax.random.uniform(ks[4], (D, D), jnp.float32, -s, s),
        "b2a": jax.random.uniform(ks[5], (D,), jnp.float32, -s, s),
        "eps1": jnp.zeros((), dtype=jnp.float32),
        # GIN layer 2 MLP
        "W1b": jax.random.uniform(ks[6], (D, D), jnp.float32, -s, s),
        "b1b": jax.random.uniform(ks[7], (D,), jnp.float32, -s, s),
        "W2b": jax.random.uniform(ks[8], (D, D), jnp.float32, -s, s),
        "b2b": jax.random.uniform(ks[9], (D,), jnp.float32, -s, s),
        "eps2": jnp.zeros((), dtype=jnp.float32),
    }
    return inp


def reference(features, edge_index, W1a, b1a, W2a, b2a, eps1, W1b, b1b, W2b, b2b, eps2):
    src = edge_index[0]
    dst = edge_index[1]

    def gin_conv(x, W1, b1, W2, b2, eps):
        # message passing: sum_{j in N(i)} x_j  (scatter-add from src to dst)
        agg = jnp.zeros_like(x).at[dst].add(x[src])
        h = (1.0 + eps) * x + agg
        h = jnp.maximum(h @ W1 + b1, 0.0)
        return h @ W2 + b2

    x = jnp.maximum(gin_conv(features, W1a, b1a, W2a, b2a, eps1), 0.0)
    # dropout p=0.5 is identity in eval mode
    x = gin_conv(x, W1b, b1b, W2b, b2b, eps2)
    return x

if __name__ == "__main__":
    import jax
    _d = setup_inputs()
    print(jax.jit(kernel)(*tuple(_d.values())))

</pallas_src>

<mosaic_0001>
#map = affine_map<(d0, d1) -> (0, 0)>
#map1 = affine_map<(d0, d1) -> (0, 0, 0)>
module attributes {stable_mosaic.version = 14 : i64} {
  func.func @k(%arg0: i32, %arg1: i32, %arg2: memref<10000x128xf32, #tpu.memory_space<hbm>>, %arg3: memref<2x2500x128xi32, #tpu.memory_space<hbm>>, %arg4: memref<2x256x128xi32, #tpu.memory_space<hbm>>, %arg5: memref<2x10000x128xf32, #tpu.memory_space<hbm>>, %arg6: memref<10512x128xf32, #tpu.memory_space<vmem_shared>>, %arg7: memref<40x128xi32, #tpu.memory_space<vmem>>, %arg8: memref<40x128xi32, #tpu.memory_space<vmem>>, %arg9: memref<128x128xf32, #tpu.memory_space<vmem>>, %arg10: memref<128x128xf32, #tpu.memory_space<vmem>>, %arg11: memref<!tpu.dma_semaphore, #tpu.memory_space<semaphore_mem>>, %arg12: memref<!tpu.dma_semaphore, #tpu.memory_space<semaphore_mem>>, %arg13: memref<!tpu.dma_semaphore, #tpu.memory_space<semaphore_mem>>, %arg14: memref<!tpu.dma_semaphore, #tpu.memory_space<semaphore_mem>>, %arg15: memref<!tpu.dma_semaphore, #tpu.memory_space<semaphore_mem>>, %arg16: memref<!tpu.dma_semaphore, #tpu.memory_space<semaphore_mem>>) attributes {dimension_semantics = [#tpu.dimension_semantics<core_parallel>, #tpu.dimension_semantics<subcore_parallel>], iteration_bounds = array<i64: 2, 16>, scalar_prefetch = 0 : i64, scratch_operands = 11 : i64, tpu.core_type = #tpu.core_type<sc_vector_subcore>, window_params = [{transform_indices = #map}, {transform_indices = #map1}, {transform_indices = #map1}, {transform_indices = #map1}]} {
    %mul3A = arith.constant 16 : i32
    %mul3A_0 = arith.muli %arg0, %mul3A : i32
    %add3A = arith.addi %mul3A_0, %arg1 : i32
    %mul3A_1 = arith.constant 72 : i32
    %mul3A_2 = arith.muli %add3A, %mul3A_1 : i32
    %mul3A_3 = arith.constant 72 : i32
    %mul3A_4 = arith.muli %add3A, %mul3A_3 : i32
    %dma_start3A = arith.constant 0 : i32
    %dma_start3A_5 = arith.constant 0 : i32
    %dma_start3A_6 = tpu.memref_slice %arg3[%dma_start3A, %mul3A_2, %dma_start3A_5] : memref<2x2500x128xi32, #tpu.memory_space<hbm>> -> memref<1x40x128xi32, #tpu.memory_space<hbm>>
    %dma_start3A_7 = tpu.memref_squeeze %dma_start3A_6 : memref<1x40x128xi32, #tpu.memory_space<hbm>> -> memref<40x128xi32, #tpu.memory_space<hbm>>
    %dma_start3A_8 = arith.constant 0 : i32
    %dma_start3A_9 = tpu.memref_slice %arg3[%dma_start3A, %mul3A_2, %dma_start3A_8] : memref<2x2500x128xi32, #tpu.memory_space<hbm>> -> memref<1x40x128xi32, #tpu.memory_space<hbm>>
    %dma_start3A_10 = tpu.memref_squeeze %dma_start3A_9 : memref<1x40x128xi32, #tpu.memory_space<hbm>> -> memref<40x128xi32, #tpu.memory_space<hbm>>
    tpu.enqueue_dma source(%dma_start3A_10 : memref<40x128xi32, #tpu.memory_space<hbm>>) target(%arg7 : memref<40x128xi32, #tpu.memory_space<vmem>>) target_semaphore(%arg11 : memref<!tpu.dma_semaphore, #tpu.memory_space<semaphore_mem>>)
    %dma_start3A_11 = arith.constant 1 : i32
    %dma_start3A_12 = arith.constant 0 : i32
    %dma_start3A_13 = tpu.memref_slice %arg3[%dma_start3A_11, %mul3A_4, %dma_start3A_12] : memref<2x2500x128xi32, #tpu.memory_space<hbm>> -> memref<1x40x128xi32, #tpu.memory_space<hbm>>
    %dma_start3A_14 = tpu.memref_squeeze %dma_start3A_13 : memref<1x40x128xi32, #tpu.memory_space<hbm>> -> memref<40x128xi32, #tpu.memory_space<hbm>>
    %dma_start3A_15 = arith.constant 0 : i32
    %dma_start3A_16 = tpu.memref_slice %arg3[%dma_start3A_11, %mul3A_4, %dma_start3A_15] : memref<2x2500x128xi32, #tpu.memory_space<hbm>> -> memref<1x40x128xi32, #tpu.memory_space<hbm>>
    %dma_start3A_17 = tpu.memref_squeeze %dma_start3A_16 : memref<1x40x128xi32, #tpu.memory_space<hbm>> -> memref<40x128xi32, #tpu.memory_space<hbm>>
    tpu.enqueue_dma source(%dma_start3A_17 : memref<40x128xi32, #tpu.memory_space<hbm>>) target(%arg8 : memref<40x128xi32, #tpu.memory_space<vmem>>) target_semaphore(%arg12 : memref<!tpu.dma_semaphore, #tpu.memory_space<semaphore_mem>>)
    %broadcast_in_dim3A = arith.constant 0.000000e+00 : f32
    %broadcast_in_dim3A_18 = vector.broadcast %broadcast_in_dim3A : f32 to vector<16xf32>
    %scan3A = arith.constant 0 : i32
    %scan3A_19 = arith.constant 128 : i32
    %scan3A_20 = arith.addi %scan3A, %scan3A_19 : i32
    %scan3A_21 = arith.constant 1 : i32
    scf.for %scan3A_296 = %scan3A to %scan3A_20 step %scan3A_21  : i32 {
      %mul3A_297 = arith.constant 1 : i32
      %mul3A_298 = arith.muli %scan3A_296, %mul3A_297 : i32
      %add3A_299 = arith.constant 0 : i32
      %add3A_300 = arith.addi %add3A_299, %mul3A_298 : i32
      %scan3A_301 = arith.constant 0 : i32
      %scan3A_302 = arith.constant 8 : i32
      %scan3A_303 = arith.addi %scan3A_301, %scan3A_302 : i32
      %scan3A_304 = arith.constant 1 : i32
      scf.for %scan3A_306 = %scan3A_301 to %scan3A_303 step %scan3A_304  : i32 {
        %mul3A_307 = arith.constant 16 : i32
        %mul3A_308 = arith.muli %scan3A_306, %mul3A_307 : i32
        %add3A_309 = arith.constant 0 : i32
        %add3A_310 = arith.addi %add3A_309, %mul3A_308 : i32
        %swap3A = arith.index_cast %add3A_300 : i32 to index
        %swap3A_311 = arith.index_cast %add3A_310 : i32 to index
        %swap3A_312 = tpu.vector_load %arg9[%swap3A, %swap3A_311] {strides = array<i32>} : memref<128x128xf32, #tpu.memory_space<vmem>>, vector<1x16xf32>,
        %swap3A_313 = vector.shape_cast %swap3A_312 : vector<1x16xf32> to vector<16xf32>
        %swap3A_314 = vector.shape_cast %broadcast_in_dim3A_18 : vector<16xf32> to vector<1x16xf32>
        tpu.vector_store %arg9[%swap3A, %swap3A_311], %swap3A_314 {strides = array<i32>} : memref<128x128xf32, #tpu.memory_space<vmem>>, vector<1x16xf32>,
      }
      %scan3A_305 = arith.constant 8 : i32
    }
    %scan3A_22 = arith.constant 128 : i32
    %mul3A_23 = arith.constant 624 : i32
    %mul3A_24 = arith.muli %arg1, %mul3A_23 : i32
    %add3A_25 = arith.constant 0 : i32
    %add3A_26 = arith.addi %mul3A_24, %add3A_25 : i32
    %mul3A_27 = arith.constant 624 : i32
    %mul3A_28 = arith.muli %arg1, %mul3A_27 : i32
    %add3A_29 = arith.constant 128 : i32
    %add3A_30 = arith.addi %mul3A_28, %add3A_29 : i32
    %mul3A_31 = arith.constant 624 : i32
    %mul3A_32 = arith.muli %arg1, %mul3A_31 : i32
    %add3A_33 = arith.constant 256 : i32
    %add3A_34 = arith.addi %mul3A_32, %add3A_33 : i32
    %mul3A_35 = arith.constant 624 : i32
    %mul3A_36 = arith.muli %arg1, %mul3A_35 : i32
    %add3A_37 = arith.constant 384 : i32
    %add3A_38 = arith.addi %mul3A_36, %add3A_37 : i32
    %mul3A_39 = arith.constant 624 : i32
    %mul3A_40 = arith.muli %arg1, %mul3A_39 : i32
    %add3A_41 = arith.constant 512 : i32
    %add3A_42 = arith.addi %mul3A_40, %add3A_41 : i32
    %dma_start3A_43 = arith.constant 0 : i32
    %dma_start3A_44 = tpu.memref_slice %arg6[%add3A_26, %dma_start3A_43] : memref<10512x128xf32, #tpu.memory_space<vmem_shared>> -> memref<128x128xf32, #tpu.memory_space<vmem_shared>>
    %dma_start3A_45 = arith.constant 0 : i32
    %dma_start3A_46 = tpu.memref_slice %arg6[%add3A_26, %dma_start3A_45] : memref<10512x128xf32, #tpu.memory_space<vmem_shared>> -> memref<128x128xf32, #tpu.memory_space<vmem_shared>>
    tpu.enqueue_dma source(%arg9 : memref<128x128xf32, #tpu.memory_space<vmem>>) target(%dma_start3A_46 : memref<128x128xf32, #tpu.memory_space<vmem_shared>>) target_semaphore(%arg13 : memref<!tpu.dma_semaphore, #tpu.memory_space<semaphore_mem>>)
    %dma_start3A_47 = arith.constant 0 : i32
    %dma_start3A_48 = tpu.memref_slice %arg6[%add3A_30, %dma_start3A_47] : memref<10512x128xf32, #tpu.memory_space<vmem_shared>> -> memref<128x128xf32, #tpu.memory_space<vmem_shared>>
    %dma_start3A_49 = arith.constant 0 : i32
    %dma_start3A_50 = tpu.memref_slice %arg6[%add3A_30, %dma_start3A_49] : memref<10512x128xf32, #tpu.memory_space<vmem_shared>> -> memref<128x128xf32, #tpu.memory_space<vmem_shared>>
    tpu.enqueue_dma source(%arg9 : memref<128x128xf32, #tpu.memory_space<vmem>>) target(%dma_start3A_50 : memref<128x128xf32, #tpu.memory_space<vmem_shared>>) target_semaphore(%arg13 : memref<!tpu.dma_semaphore, #tpu.memory_space<semaphore_mem>>)
    %dma_start3A_51 = arith.constant 0 : i32
    %dma_start3A_52 = tpu.memref_slice %arg6[%add3A_34, %dma_start3A_51] : memref<10512x128xf32, #tpu.memory_space<vmem_shared>> -> memref<128x128xf32, #tpu.memory_space<vmem_shared>>
    %dma_start3A_53 = arith.constant 0 : i32
    %dma_start3A_54 = tpu.memref_slice %arg6[%add3A_34, %dma_start3A_53] : memref<10512x128xf32, #tpu.memory_space<vmem_shared>> -> memref<128x128xf32, #tpu.memory_space<vmem_shared>>
    tpu.enqueue_dma source(%arg9 : memref<128x128xf32, #tpu.memory_space<vmem>>) target(%dma_start3A_54 : memref<128x128xf32, #tpu.memory_space<vmem_shared>>) target_semaphore(%arg13 : memref<!tpu.dma_semaphore, #tpu.memory_space<semaphore_mem>>)
    %dma_start3A_55 = arith.constant 0 : i32
    %dma_start3A_56 = tpu.memref_slice %arg6[%add3A_38, %dma_start3A_55] : memref<10512x128xf32, #tpu.memory_space<vmem_shared>> -> memref<128x128xf32, #tpu.memory_space<vmem_shared>>
    %dma_start3A_57 = arith.constant 0 : i32
    %dma_start3A_58 = tpu.memref_slice %arg6[%add3A_38, %dma_start3A_57] : memref<10512x128xf32, #tpu.memory_space<vmem_shared>> -> memref<128x128xf32, #tpu.memory_space<vmem_shared>>
    tpu.enqueue_dma source(%arg9 : memref<128x128xf32, #tpu.memory_space<vmem>>) target(%dma_start3A_58 : memref<128x128xf32, #tpu.memory_space<vmem_shared>>) target_semaphore(%arg13 : memref<!tpu.dma_semaphore, #tpu.memory_space<semaphore_mem>>)
    %dma_start3A_59 = arith.constant 0 : i32
    %dma_start3A_60 = arith.constant 0 : i32
    %dma_start3A_61 = tpu.memref_slice %arg9[%dma_start3A_59, %dma_start3A_60] : memref<128x128xf32, #tpu.memory_space<vmem>> -> memref<112x128xf32, #tpu.memory_space<vmem>>
    %dma_start3A_62 = arith.constant 0 : i32
    %dma_start3A_63 = tpu.memref_slice %arg6[%add3A_42, %dma_start3A_62] : memref<10512x128xf32, #tpu.memory_space<vmem_shared>> -> memref<112x128xf32, #tpu.memory_space<vmem_shared>>
    %dma_start3A_64 = arith.constant 0 : i32
    %dma_start3A_65 = tpu.memref_slice %arg6[%add3A_42, %dma_start3A_64] : memref<10512x128xf32, #tpu.memory_space<vmem_shared>> -> memref<112x128xf32, #tpu.memory_space<vmem_shared>>
    %dma_start3A_66 = arith.constant 0 : i32
    %dma_start3A_67 = arith.constant 0 : i32
    %dma_start3A_68 = tpu.memref_slice %arg9[%dma_start3A_66, %dma_start3A_67] : memref<128x128xf32, #tpu.memory_space<vmem>> -> memref<112x128xf32, #tpu.memory_space<vmem>>
    tpu.enqueue_dma source(%dma_start3A_68 : memref<112x128xf32, #tpu.memory_space<vmem>>) target(%dma_start3A_65 : memref<112x128xf32, #tpu.memory_space<vmem_shared>>) target_semaphore(%arg14 : memref<!tpu.dma_semaphore, #tpu.memory_space<semaphore_mem>>)
    %mul3A_69 = arith.constant 624 : i32
    %mul3A_70 = arith.muli %arg1, %mul3A_69 : i32
    %add3A_71 = arith.constant 0 : i32
    %add3A_72 = arith.addi %mul3A_70, %add3A_71 : i32
    %mul3A_73 = arith.constant 624 : i32
    %mul3A_74 = arith.muli %arg1, %mul3A_73 : i32
    %add3A_75 = arith.constant 128 : i32
    %add3A_76 = arith.addi %mul3A_74, %add3A_75 : i32
    %mul3A_77 = arith.constant 624 : i32
    %mul3A_78 = arith.muli %arg1, %mul3A_77 : i32
    %add3A_79 = arith.constant 256 : i32
    %add3A_80 = arith.addi %mul3A_78, %add3A_79 : i32
    %mul3A_81 = arith.constant 624 : i32
    %mul3A_82 = arith.muli %arg1, %mul3A_81 : i32
    %add3A_83 = arith.constant 384 : i32
    %add3A_84 = arith.addi %mul3A_82, %add3A_83 : i32
    %mul3A_85 = arith.constant 624 : i32
    %mul3A_86 = arith.muli %arg1, %mul3A_85 : i32
    %add3A_87 = arith.constant 512 : i32
    %add3A_88 = arith.addi %mul3A_86, %add3A_87 : i32
    %dma_wait3A = arith.constant 0 : i32
    %dma_wait3A_89 = tpu.memref_slice %arg6[%add3A_72, %dma_wait3A] : memref<10512x128xf32, #tpu.memory_space<vmem_shared>> -> memref<128x128xf32, #tpu.memory_space<vmem_shared>>
    %dma_wait3A_90 = arith.constant 0 : i32
    %dma_wait3A_91 = tpu.memref_slice %arg6[%add3A_72, %dma_wait3A_90] : memref<10512x128xf32, #tpu.memory_space<vmem_shared>> -> memref<128x128xf32, #tpu.memory_space<vmem_shared>>
    tpu.wait_dma2 semaphore(%arg13 : memref<!tpu.dma_semaphore, #tpu.memory_space<semaphore_mem>>) src(%arg9 : memref<128x128xf32, #tpu.memory_space<vmem>>) dst(%dma_wait3A_91 : memref<128x128xf32, #tpu.memory_space<vmem_shared>>)
    %dma_wait3A_92 = arith.constant 0 : i32
    %dma_wait3A_93 = tpu.memref_slice %arg6[%add3A_76, %dma_wait3A_92] : memref<10512x128xf32, #tpu.memory_space<vmem_shared>> -> memref<128x128xf32, #tpu.memory_space<vmem_shared>>
    %dma_wait3A_94 = arith.constant 0 : i32
    %dma_wait3A_95 = tpu.memref_slice %arg6[%add3A_76, %dma_wait3A_94] : memref<10512x128xf32, #tpu.memory_space<vmem_shared>> -> memref<128x128xf32, #tpu.memory_space<vmem_shared>>
    tpu.wait_dma2 semaphore(%arg13 : memref<!tpu.dma_semaphore, #tpu.memory_space<semaphore_mem>>) src(%arg9 : memref<128x128xf32, #tpu.memory_space<vmem>>) dst(%dma_wait3A_95 : memref<128x128xf32, #tpu.memory_space<vmem_shared>>)
    %dma_wait3A_96 = arith.constant 0 : i32
    %dma_wait3A_97 = tpu.memref_slice %arg6[%add3A_80, %dma_wait3A_96] : memref<10512x128xf32, #tpu.memory_space<vmem_shared>> -> memref<128x128xf32, #tpu.memory_space<vmem_shared>>
    %dma_wait3A_98 = arith.constant 0 : i32
    %dma_wait3A_99 = tpu.memref_slice %arg6[%add3A_80, %dma_wait3A_98] : memref<10512x128xf32, #tpu.memory_space<vmem_shared>> -> memref<128x128xf32, #tpu.memory_space<vmem_shared>>
    tpu.wait_dma2 semaphore(%arg13 : memref<!tpu.dma_semaphore, #tpu.memory_space<semaphore_mem>>) src(%arg9 : memref<128x128xf32, #tpu.memory_space<vmem>>) dst(%dma_wait3A_99 : memref<128x128xf32, #tpu.memory_space<vmem_shared>>)
    %dma_wait3A_100 = arith.constant 0 : i32
    %dma_wait3A_101 = tpu.memref_slice %arg6[%add3A_84, %dma_wait3A_100] : memref<10512x128xf32, #tpu.memory_space<vmem_shared>> -> memref<128x128xf32, #tpu.memory_space<vmem_shared>>
    %dma_wait3A_102 = arith.constant 0 : i32
    %dma_wait3A_103 = tpu.memref_slice %arg6[%add3A_84, %dma_wait3A_102] : memref<10512x128xf32, #tpu.memory_space<vmem_shared>> -> memref<128x128xf32, #tpu.memory_space<vmem_shared>>
    tpu.wait_dma2 semaphore(%arg13 : memref<!tpu.dma_semaphore, #tpu.memory_space<semaphore_mem>>) src(%arg9 : memref<128x128xf32, #tpu.memory_space<vmem>>) dst(%dma_wait3A_103 : memref<128x128xf32, #tpu.memory_space<vmem_shared>>)
    %dma_wait3A_104 = arith.constant 0 : i32
    %dma_wait3A_105 = arith.constant 0 : i32
    %dma_wait3A_106 = tpu.memref_slice %arg9[%dma_wait3A_104, %dma_wait3A_105] : memref<128x128xf32, #tpu.memory_space<vmem>> -> memref<112x128xf32, #tpu.memory_space<vmem>>
    %dma_wait3A_107 = arith.constant 0 : i32
    %dma_wait3A_108 = tpu.memref_slice %arg6[%add3A_88, %dma_wait3A_107] : memref<10512x128xf32, #tpu.memory_space<vmem_shared>> -> memref<112x128xf32, #tpu.memory_space<vmem_shared>>
    %dma_wait3A_109 = arith.constant 0 : i32
    %dma_wait3A_110 = tpu.memref_slice %arg6[%add3A_88, %dma_wait3A_109] : memref<10512x128xf32, #tpu.memory_space<vmem_shared>> -> memref<112x128xf32, #tpu.memory_space<vmem_shared>>
    %dma_wait3A_111 = arith.constant 0 : i32
    %dma_wait3A_112 = arith.constant 0 : i32
    %dma_wait3A_113 = tpu.memref_slice %arg9[%dma_wait3A_111, %dma_wait3A_112] : memref<128x128xf32, #tpu.memory_space<vmem>> -> memref<112x128xf32, #tpu.memory_space<vmem>>
    tpu.wait_dma2 semaphore(%arg14 : memref<!tpu.dma_semaphore, #tpu.memory_space<semaphore_mem>>) src(%dma_wait3A_113 : memref<112x128xf32, #tpu.memory_space<vmem>>) dst(%dma_wait3A_110 : memref<112x128xf32, #tpu.memory_space<vmem_shared>>)
    %eq3A = arith.constant 0 : i32
    %eq3A_114 = arith.cmpi eq, %arg1, %eq3A : i32
    %convert_element_type3A = arith.extui %eq3A_114 : i1 to i32
    %cond3A = arith.constant 0 : i32
    %cond3A_115 = arith.cmpi ne, %convert_element_type3A, %cond3A : i32
    scf.if %cond3A_115 {
      "tpu.region"() ({
        %run_scoped3A = tpu.sem_alloc : memref<!tpu.dma_semaphore, #tpu.memory_space<semaphore_mem>>
        %dma_start3A_296 = arith.constant 0 : i32
        %dma_start3A_297 = arith.constant 0 : i32
        %dma_start3A_298 = tpu.memref_slice %arg9[%dma_start3A_296, %dma_start3A_297] : memref<128x128xf32, #tpu.memory_space<vmem>> -> memref<16x128xf32, #tpu.memory_space<vmem>>
        %dma_start3A_299 = arith.constant 9984 : i32
        %dma_start3A_300 = arith.constant 0 : i32
        %dma_start3A_301 = tpu.memref_slice %arg6[%dma_start3A_299, %dma_start3A_300] : memref<10512x128xf32, #tpu.memory_space<vmem_shared>> -> memref<16x128xf32, #tpu.memory_space<vmem_shared>>
        %dma_start3A_302 = arith.constant 9984 : i32
        %dma_start3A_303 = arith.constant 0 : i32
        %dma_start3A_304 = tpu.memref_slice %arg6[%dma_start3A_302, %dma_start3A_303] : memref<10512x128xf32, #tpu.memory_space<vmem_shared>> -> memref<16x128xf32, #tpu.memory_space<vmem_shared>>
        %dma_start3A_305 = arith.constant 0 : i32
        %dma_start3A_306 = arith.constant 0 : i32
        %dma_start3A_307 = tpu.memref_slice %arg9[%dma_start3A_305, %dma_start3A_306] : memref<128x128xf32, #tpu.memory_space<vmem>> -> memref<16x128xf32, #tpu.memory_space<vmem>>
        tpu.enqueue_dma source(%dma_start3A_307 : memref<16x128xf32, #tpu.memory_space<vmem>>) target(%dma_start3A_304 : memref<16x128xf32, #tpu.memory_space<vmem_shared>>) target_semaphore(%run_scoped3A : memref<!tpu.dma_semaphore, #tpu.memory_space<semaphore_mem>>)
        %dma_wait3A_308 = arith.constant 0 : i32
        %dma_wait3A_309 = arith.constant 0 : i32
        %dma_wait3A_310 = tpu.memref_slice %arg9[%dma_wait3A_308, %dma_wait3A_309] : memref<128x128xf32, #tpu.memory_space<vmem>> -> memref<16x128xf32, #tpu.memory_space<vmem>>
        %dma_wait3A_311 = arith.constant 9984 : i32
        %dma_wait3A_312 = arith.constant 0 : i32
        %dma_wait3A_313 = tpu.memref_slice %arg6[%dma_wait3A_311, %dma_wait3A_312] : memref<10512x128xf32, #tpu.memory_space<vmem_shared>> -> memref<16x128xf32, #tpu.memory_space<vmem_shared>>
        %dma_wait3A_314 = arith.constant 9984 : i32
        %dma_wait3A_315 = arith.constant 0 : i32
        %dma_wait3A_316 = tpu.memref_slice %arg6[%dma_wait3A_314, %dma_wait3A_315] : memref<10512x128xf32, #tpu.memory_space<vmem_shared>> -> memref<16x128xf32, #tpu.memory_space<vmem_shared>>
        %dma_wait3A_317 = arith.constant 0 : i32
        %dma_wait3A_318 = arith.constant 0 : i32
        %dma_wait3A_319 = tpu.memref_slice %arg9[%dma_wait3A_317, %dma_wait3A_318] : memref<128x128xf32, #tpu.memory_space<vmem>> -> memref<16x128xf32, #tpu.memory_space<vmem>>
        tpu.wait_dma2 semaphore(%run_scoped3A : memref<!tpu.dma_semaphore, #tpu.memory_space<semaphore_mem>>) src(%dma_wait3A_319 : memref<16x128xf32, #tpu.memory_space<vmem>>) dst(%dma_wait3A_316 : memref<16x128xf32, #tpu.memory_space<vmem_shared>>)
        tpu.yield
      }) : () -> ()
    } else {
    }
    %barrier3A = arith.constant 0 : index
    tpu.barrier barrier_id(%barrier3A)
    %mul3A_116 = arith.constant 72 : i32
    %mul3A_117 = arith.muli %add3A, %mul3A_116 : i32
    %mul3A_118 = arith.constant 72 : i32
    %mul3A_119 = arith.muli %add3A, %mul3A_118 : i32
    %dma_wait3A_120 = arith.constant 0 : i32
    %dma_wait3A_121 = arith.constant 0 : i32
    %dma_wait3A_122 = tpu.memref_slice %arg3[%dma_wait3A_120, %mul3A_117, %dma_wait3A_121] : memref<2x2500x128xi32, #tpu.memory_space<hbm>> -> memref<1x40x128xi32, #tpu.memory_space<hbm>>
    %dma_wait3A_123 = tpu.memref_squeeze %dma_wait3A_122 : memref<1x40x128xi32, #tpu.memory_space<hbm>> -> memref<40x128xi32, #tpu.memory_space<hbm>>
    %dma_wait3A_124 = arith.constant 0 : i32
    %dma_wait3A_125 = tpu.memref_slice %arg3[%dma_wait3A_120, %mul3A_117, %dma_wait3A_124] : memref<2x2500x128xi32, #tpu.memory_space<hbm>> -> memref<1x40x128xi32, #tpu.memory_space<hbm>>
    %dma_wait3A_126 = tpu.memref_squeeze %dma_wait3A_125 : memref<1x40x128xi32, #tpu.memory_space<hbm>> -> memref<40x128xi32, #tpu.memory_space<hbm>>
    tpu.wait_dma2 semaphore(%arg11 : memref<!tpu.dma_semaphore, #tpu.memory_space<semaphore_mem>>) src(%dma_wait3A_126 : memref<40x128xi32, #tpu.memory_space<hbm>>) dst(%arg7 : memref<40x128xi32, #tpu.memory_space<vmem>>)
    %dma_wait3A_127 = arith.constant 1 : i32
    %dma_wait3A_128 = arith.constant 0 : i32
    %dma_wait3A_129 = tpu.memref_slice %arg3[%dma_wait3A_127, %mul3A_119, %dma_wait3A_128] : memref<2x2500x128xi32, #tpu.memory_space<hbm>> -> memref<1x40x128xi32, #tpu.memory_space<hbm>>
    %dma_wait3A_130 = tpu.memref_squeeze %dma_wait3A_129 : memref<1x40x128xi32, #tpu.memory_space<hbm>> -> memref<40x128xi32, #tpu.memory_space<hbm>>
    %dma_wait3A_131 = arith.constant 0 : i32
    %dma_wait3A_132 = tpu.memref_slice %arg3[%dma_wait3A_127, %mul3A_119, %dma_wait3A_131] : memref<2x2500x128xi32, #tpu.memory_space<hbm>> -> memref<1x40x128xi32, #tpu.memory_space<hbm>>
    %dma_wait3A_133 = tpu.memref_squeeze %dma_wait3A_132 : memref<1x40x128xi32, #tpu.memory_space<hbm>> -> memref<40x128xi32, #tpu.memory_space<hbm>>
    tpu.wait_dma2 semaphore(%arg12 : memref<!tpu.dma_semaphore, #tpu.memory_space<semaphore_mem>>) src(%dma_wait3A_133 : memref<40x128xi32, #tpu.memory_space<hbm>>) dst(%arg8 : memref<40x128xi32, #tpu.memory_space<vmem>>)
    %dma_start3A_134 = arith.constant 0 : i32
    %dma_start3A_135 = arith.constant 0 : i32
    %dma_start3A_136 = tpu.memref_slice %arg7[%dma_start3A_134, %dma_start3A_135] : memref<40x128xi32, #tpu.memory_space<vmem>> -> memref<1x128xi32, #tpu.memory_space<vmem>>
    %dma_start3A_137 = tpu.memref_squeeze %dma_start3A_136 : memref<1x128xi32, #tpu.memory_space<vmem>> -> memref<128xi32, #tpu.memory_space<vmem>>
    %dma_start3A_138 = arith.constant 0 : i32
    %dma_start3A_139 = arith.constant 0 : i32
    %dma_start3A_140 = tpu.memref_slice %arg2[%dma_start3A_138, %dma_start3A_139] : memref<10000x128xf32, #tpu.memory_space<hbm>> -> memref<10000x128xf32, #tpu.memory_space<hbm>>
    tpu.enqueue_indirect_dma source(%dma_start3A_140 : memref<10000x128xf32, #tpu.memory_space<hbm>>) target(%arg9 : memref<128x128xf32, #tpu.memory_space<vmem>>) offsets(%dma_start3A_137 : memref<128xi32, #tpu.memory_space<vmem>>) semaphore(%arg11 : memref<!tpu.dma_semaphore, #tpu.memory_space<semaphore_mem>>)
    %scan3A_141 = arith.constant 0 : i32
    %scan3A_142 = arith.constant 20 : i32
    %scan3A_143 = arith.addi %scan3A_141, %scan3A_142 : i32
    %scan3A_144 = arith.constant 1 : i32
    scf.for %scan3A_296 = %scan3A_141 to %scan3A_143 step %scan3A_144  : i32 {
      %mul3A_297 = arith.constant 1 : i32
      %mul3A_298 = arith.muli %scan3A_296, %mul3A_297 : i32
      %add3A_299 = arith.constant 0 : i32
      %add3A_300 = arith.addi %add3A_299, %mul3A_298 : i32
      %mul3A_301 = arith.constant 2 : i32
      %mul3A_302 = arith.muli %mul3A_301, %add3A_300 : i32
      %add3A_303 = arith.constant 1 : i32
      %add3A_304 = arith.addi %mul3A_302, %add3A_303 : i32
      %dma_wait3A_305 = arith.constant 0 : i32
      %dma_wait3A_306 = tpu.memref_slice %arg7[%mul3A_302, %dma_wait3A_305] : memref<40x128xi32, #tpu.memory_space<vmem>> -> memref<1x128xi32, #tpu.memory_space<vmem>>
      %dma_wait3A_307 = tpu.memref_squeeze %dma_wait3A_306 : memref<1x128xi32, #tpu.memory_space<vmem>> -> memref<128xi32, #tpu.memory_space<vmem>>
      %dma_wait3A_308 = arith.constant 0 : i32
      %dma_wait3A_309 = arith.constant 0 : i32
      %dma_wait3A_310 = tpu.memref_slice %arg2[%dma_wait3A_308, %dma_wait3A_309] : memref<10000x128xf32, #tpu.memory_space<hbm>> -> memref<10000x128xf32, #tpu.memory_space<hbm>>
      tpu.wait_indirect_dma semaphore(%arg11 : memref<!tpu.dma_semaphore, #tpu.memory_space<semaphore_mem>>) src(%dma_wait3A_310 : memref<10000x128xf32, #tpu.memory_space<hbm>>) dst(%arg9 : memref<128x128xf32, #tpu.memory_space<vmem>>)
      %dma_start3A_311 = arith.constant 0 : i32
      %dma_start3A_312 = tpu.memref_slice %arg7[%add3A_304, %dma_start3A_311] : memref<40x128xi32, #tpu.memory_space<vmem>> -> memref<1x128xi32, #tpu.memory_space<vmem>>
      %dma_start3A_313 = tpu.memref_squeeze %dma_start3A_312 : memref<1x128xi32, #tpu.memory_space<vmem>> -> memref<128xi32, #tpu.memory_space<vmem>>
      %dma_start3A_314 = arith.constant 0 : i32
      %dma_start3A_315 = arith.constant 0 : i32
      %dma_start3A_316 = tpu.memref_slice %arg2[%dma_start3A_314, %dma_start3A_315] : memref<10000x128xf32, #tpu.memory_space<hbm>> -> memref<10000x128xf32, #tpu.memory_space<hbm>>
      tpu.enqueue_indirect_dma source(%dma_start3A_316 : memref<10000x128xf32, #tpu.memory_space<hbm>>) target(%arg10 : memref<128x128xf32, #tpu.memory_space<vmem>>) offsets(%dma_start3A_313 : memref<128xi32, #tpu.memory_space<vmem>>) semaphore(%arg12 : memref<!tpu.dma_semaphore, #tpu.memory_space<semaphore_mem>>)
      %dma_start3A_317 = arith.constant 0 : i32
      %dma_start3A_318 = tpu.memref_slice %arg8[%mul3A_302, %dma_start3A_317] : memref<40x128xi32, #tpu.memory_space<vmem>> -> memref<1x128xi32, #tpu.memory_space<vmem>>
      %dma_start3A_319 = tpu.memref_squeeze %dma_start3A_318 : memref<1x128xi32, #tpu.memory_space<vmem>> -> memref<128xi32, #tpu.memory_space<vmem>>
      %dma_start3A_320 = arith.constant 0 : i32
      %dma_start3A_321 = arith.constant 0 : i32
      %dma_start3A_322 = tpu.memref_slice %arg6[%dma_start3A_320, %dma_start3A_321] : memref<10512x128xf32, #tpu.memory_space<vmem_shared>> -> memref<10512x128xf32, #tpu.memory_space<vmem_shared>>
      tpu.enqueue_indirect_dma source(%arg9 : memref<128x128xf32, #tpu.memory_space<vmem>>) target(%dma_start3A_322 : memref<10512x128xf32, #tpu.memory_space<vmem_shared>>) offsets(%dma_start3A_319 : memref<128xi32, #tpu.memory_space<vmem>>) semaphore(%arg15 : memref<!tpu.dma_semaphore, #tpu.memory_space<semaphore_mem>>) {add = true}
      %dma_wait3A_323 = arith.constant 0 : i32
      %dma_wait3A_324 = tpu.memref_slice %arg7[%add3A_304, %dma_wait3A_323] : memref<40x128xi32, #tpu.memory_space<vmem>> -> memref<1x128xi32, #tpu.memory_space<vmem>>
      %dma_wait3A_325 = tpu.memref_squeeze %dma_wait3A_324 : memref<1x128xi32, #tpu.memory_space<vmem>> -> memref<128xi32, #tpu.memory_space<vmem>>
      %dma_wait3A_326 = arith.constant 0 : i32
      %dma_wait3A_327 = arith.constant 0 : i32
      %dma_wait3A_328 = tpu.memref_slice %arg2[%dma_wait3A_326, %dma_wait3A_327] : memref<10000x128xf32, #tpu.memory_space<hbm>> -> memref<10000x128xf32, #tpu.memory_space<hbm>>
      tpu.wait_indirect_dma semaphore(%arg12 : memref<!tpu.dma_semaphore, #tpu.memory_space<semaphore_mem>>) src(%dma_wait3A_328 : memref<10000x128xf32, #tpu.memory_space<hbm>>) dst(%arg10 : memref<128x128xf32, #tpu.memory_space<vmem>>)
      %dma_start3A_329 = arith.constant 0 : i32
      %dma_start3A_330 = tpu.memref_slice %arg8[%add3A_304, %dma_start3A_329] : memref<40x128xi32, #tpu.memory_space<vmem>> -> memref<1x128xi32, #tpu.memory_space<vmem>>
      %dma_start3A_331 = tpu.memref_squeeze %dma_start3A_330 : memref<1x128xi32, #tpu.memory_space<vmem>> -> memref<128xi32, #tpu.memory_space<vmem>>
      %dma_start3A_332 = arith.constant 0 : i32
      %dma_start3A_333 = arith.constant 0 : i32
      %dma_start3A_334 = tpu.memref_slice %arg6[%dma_start3A_332, %dma_start3A_333] : memref<10512x128xf32, #tpu.memory_space<vmem_shared>> -> memref<10512x128xf32, #tpu.memory_space<vmem_shared>>
      tpu.enqueue_indirect_dma source(%arg10 : memref<128x128xf32, #tpu.memory_space<vmem>>) target(%dma_start3A_334 : memref<10512x128xf32, #tpu.memory_space<vmem_shared>>) offsets(%dma_start3A_331 : memref<128xi32, #tpu.memory_space<vmem>>) semaphore(%arg16 : memref<!tpu.dma_semaphore, #tpu.memory_space<semaphore_mem>>) {add = true}
      %dma_wait3A_335 = arith.constant 0 : i32
      %dma_wait3A_336 = tpu.memref_slice %arg8[%mul3A_302, %dma_wait3A_335] : memref<40x128xi32, #tpu.memory_space<vmem>> -> memref<1x128xi32, #tpu.memory_space<vmem>>
      %dma_wait3A_337 = tpu.memref_squeeze %dma_wait3A_336 : memref<1x128xi32, #tpu.memory_space<vmem>> -> memref<128xi32, #tpu.memory_space<vmem>>
      %dma_wait3A_338 = arith.constant 0 : i32
      %dma_wait3A_339 = arith.constant 0 : i32
      %dma_wait3A_340 = tpu.memref_slice %arg6[%dma_wait3A_338, %dma_wait3A_339] : memref<10512x128xf32, #tpu.memory_space<vmem_shared>> -> memref<10512x128xf32, #tpu.memory_space<vmem_shared>>
      tpu.wait_indirect_dma semaphore(%arg15 : memref<!tpu.dma_semaphore, #tpu.memory_space<semaphore_mem>>) src(%arg9 : memref<128x128xf32, #tpu.memory_space<vmem>>) dst(%dma_wait3A_340 : memref<10512x128xf32, #tpu.memory_space<vmem_shared>>)
      %lt3A = arith.constant 19 : i32
      %lt3A_341 = arith.cmpi slt, %add3A_300, %lt3A : i32
      %convert_element_type3A_342 = arith.extui %lt3A_341 : i1 to i32
      %cond3A_343 = arith.constant 0 : i32
      %cond3A_344 = arith.cmpi ne, %convert_element_type3A_342, %cond3A_343 : i32
      scf.if %cond3A_344 {
        %add3A_351 = arith.constant 2 : i32
        %add3A_352 = arith.addi %mul3A_302, %add3A_351 : i32
        %dma_start3A_353 = arith.constant 0 : i32
        %dma_start3A_354 = tpu.memref_slice %arg7[%add3A_352, %dma_start3A_353] : memref<40x128xi32, #tpu.memory_space<vmem>> -> memref<1x128xi32, #tpu.memory_space<vmem>>
        %dma_start3A_355 = tpu.memref_squeeze %dma_start3A_354 : memref<1x128xi32, #tpu.memory_space<vmem>> -> memref<128xi32, #tpu.memory_space<vmem>>
        %dma_start3A_356 = arith.constant 0 : i32
        %dma_start3A_357 = arith.constant 0 : i32
        %dma_start3A_358 = tpu.memref_slice %arg2[%dma_start3A_356, %dma_start3A_357] : memref<10000x128xf32, #tpu.memory_space<hbm>> -> memref<10000x128xf32, #tpu.memory_space<hbm>>
        tpu.enqueue_indirect_dma source(%dma_start3A_358 : memref<10000x128xf32, #tpu.memory_space<hbm>>) target(%arg9 : memref<128x128xf32, #tpu.memory_space<vmem>>) offsets(%dma_start3A_355 : memref<128xi32, #tpu.memory_space<vmem>>) semaphore(%arg11 : memref<!tpu.dma_semaphore, #tpu.memory_space<semaphore_mem>>)
      } else {
      }
      %dma_wait3A_345 = arith.constant 0 : i32
      %dma_wait3A_346 = tpu.memref_slice %arg8[%add3A_304, %dma_wait3A_345] : memref<40x128xi32, #tpu.memory_space<vmem>> -> memref<1x128xi32, #tpu.memory_space<vmem>>
      %dma_wait3A_347 = tpu.memref_squeeze %dma_wait3A_346 : memref<1x128xi32, #tpu.memory_space<vmem>> -> memref<128xi32, #tpu.memory_space<vmem>>
      %dma_wait3A_348 = arith.constant 0 : i32
      %dma_wait3A_349 = arith.constant 0 : i32
      %dma_wait3A_350 = tpu.memref_slice %arg6[%dma_wait3A_348, %dma_wait3A_349] : memref<10512x128xf32, #tpu.memory_space<vmem_shared>> -> memref<10512x128xf32, #tpu.memory_space<vmem_shared>>
      tpu.wait_indirect_dma semaphore(%arg16 : memref<!tpu.dma_semaphore, #tpu.memory_space<semaphore_mem>>) src(%arg10 : memref<128x128xf32, #tpu.memory_space<vmem>>) dst(%dma_wait3A_350 : memref<10512x128xf32, #tpu.memory_space<vmem_shared>>)
    }
    %scan3A_145 = arith.constant 20 : i32
    %mul3A_146 = arith.constant 72 : i32
    %mul3A_147 = arith.muli %add3A, %mul3A_146 : i32
    %add3A_148 = arith.constant 40 : i32
    %add3A_149 = arith.addi %mul3A_147, %add3A_148 : i32
    %mul3A_150 = arith.constant 72 : i32
    %mul3A_151 = arith.muli %add3A, %mul3A_150 : i32
    %add3A_152 = arith.constant 40 : i32
    %add3A_153 = arith.addi %mul3A_151, %add3A_152 : i32
    %mul3A_154 = arith.constant 8 : i32
    %mul3A_155 = arith.muli %add3A, %mul3A_154 : i32
    %mul3A_156 = arith.constant 8 : i32
    %mul3A_157 = arith.muli %add3A, %mul3A_156 : i32
    %dma_start3A_158 = arith.constant 0 : i32
    %dma_start3A_159 = arith.constant 0 : i32
    %dma_start3A_160 = arith.constant 0 : i32
    %dma_start3A_161 = tpu.memref_slice %arg7[%dma_start3A_159, %dma_start3A_160] : memref<40x128xi32, #tpu.memory_space<vmem>> -> memref<32x128xi32, #tpu.memory_space<vmem>>
    %dma_start3A_162 = arith.constant 0 : i32
    %dma_start3A_163 = tpu.memref_slice %arg3[%dma_start3A_158, %add3A_149, %dma_start3A_162] : memref<2x2500x128xi32, #tpu.memory_space<hbm>> -> memref<1x32x128xi32, #tpu.memory_space<hbm>>
    %dma_start3A_164 = tpu.memref_squeeze %dma_start3A_163 : memref<1x32x128xi32, #tpu.memory_space<hbm>> -> memref<32x128xi32, #tpu.memory_space<hbm>>
    %dma_start3A_165 = arith.constant 0 : i32
    %dma_start3A_166 = arith.constant 0 : i32
    %dma_start3A_167 = tpu.memref_slice %arg7[%dma_start3A_165, %dma_start3A_166] : memref<40x128xi32, #tpu.memory_space<vmem>> -> memref<32x128xi32, #tpu.memory_space<vmem>>
    %dma_start3A_168 = arith.constant 0 : i32
    %dma_start3A_169 = tpu.memref_slice %arg3[%dma_start3A_158, %add3A_149, %dma_start3A_168] : memref<2x2500x128xi32, #tpu.memory_space<hbm>> -> memref<1x32x128xi32, #tpu.memory_space<hbm>>
    %dma_start3A_170 = tpu.memref_squeeze %dma_start3A_169 : memref<1x32x128xi32, #tpu.memory_space<hbm>> -> memref<32x128xi32, #tpu.memory_space<hbm>>
    tpu.enqueue_dma source(%dma_start3A_170 : memref<32x128xi32, #tpu.memory_space<hbm>>) target(%dma_start3A_167 : memref<32x128xi32, #tpu.memory_space<vmem>>) target_semaphore(%arg11 : memref<!tpu.dma_semaphore, #tpu.memory_space<semaphore_mem>>)
    %dma_start3A_171 = arith.constant 1 : i32
    %dma_start3A_172 = arith.constant 0 : i32
    %dma_start3A_173 = arith.constant 0 : i32
    %dma_start3A_174 = tpu.memref_slice %arg8[%dma_start3A_172, %dma_start3A_173] : memref<40x128xi32, #tpu.memory_space<vmem>> -> memref<32x128xi32, #tpu.memory_space<vmem>>
    %dma_start3A_175 = arith.constant 0 : i32
    %dma_start3A_176 = tpu.memref_slice %arg3[%dma_start3A_171, %add3A_153, %dma_start3A_175] : memref<2x2500x128xi32, #tpu.memory_space<hbm>> -> memref<1x32x128xi32, #tpu.memory_space<hbm>>
    %dma_start3A_177 = tpu.memref_squeeze %dma_start3A_176 : memref<1x32x128xi32, #tpu.memory_space<hbm>> -> memref<32x128xi32, #tpu.memory_space<hbm>>
    %dma_start3A_178 = arith.constant 0 : i32
    %dma_start3A_179 = arith.constant 0 : i32
    %dma_start3A_180 = tpu.memref_slice %arg8[%dma_start3A_178, %dma_start3A_179] : memref<40x128xi32, #tpu.memory_space<vmem>> -> memref<32x128xi32, #tpu.memory_space<vmem>>
    %dma_start3A_181 = arith.constant 0 : i32
    %dma_start3A_182 = tpu.memref_slice %arg3[%dma_start3A_171, %add3A_153, %dma_start3A_181] : memref<2x2500x128xi32, #tpu.memory_space<hbm>> -> memref<1x32x128xi32, #tpu.memory_space<hbm>>
    %dma_start3A_183 = tpu.memref_squeeze %dma_start3A_182 : memref<1x32x128xi32, #tpu.memory_space<hbm>> -> memref<32x128xi32, #tpu.memory_space<hbm>>
    tpu.enqueue_dma source(%dma_start3A_183 : memref<32x128xi32, #tpu.memory_space<hbm>>) target(%dma_start3A_180 : memref<32x128xi32, #tpu.memory_space<vmem>>) target_semaphore(%arg12 : memref<!tpu.dma_semaphore, #tpu.memory_space<semaphore_mem>>)
    %dma_start3A_184 = arith.constant 0 : i32
    %dma_start3A_185 = arith.constant 32 : i32
    %dma_start3A_186 = arith.constant 0 : i32
    %dma_start3A_187 = tpu.memref_slice %arg7[%dma_start3A_185, %dma_start3A_186] : memref<40x128xi32, #tpu.memory_space<vmem>> -> memref<8x128xi32, #tpu.memory_space<vmem>>
    %dma_start3A_188 = arith.constant 0 : i32
    %dma_start3A_189 = tpu.memref_slice %arg4[%dma_start3A_184, %mul3A_155, %dma_start3A_188] : memref<2x256x128xi32, #tpu.memory_space<hbm>> -> memref<1x8x128xi32, #tpu.memory_space<hbm>>
    %dma_start3A_190 = tpu.memref_squeeze %dma_start3A_189 : memref<1x8x128xi32, #tpu.memory_space<hbm>> -> memref<8x128xi32, #tpu.memory_space<hbm>>
    %dma_start3A_191 = arith.constant 32 : i32
    %dma_start3A_192 = arith.constant 0 : i32
    %dma_start3A_193 = tpu.memref_slice %arg7[%dma_start3A_191, %dma_start3A_192] : memref<40x128xi32, #tpu.memory_space<vmem>> -> memref<8x128xi32, #tpu.memory_space<vmem>>
    %dma_start3A_194 = arith.constant 0 : i32
    %dma_start3A_195 = tpu.memref_slice %arg4[%dma_start3A_184, %mul3A_155, %dma_start3A_194] : memref<2x256x128xi32, #tpu.memory_space<hbm>> -> memref<1x8x128xi32, #tpu.memory_space<hbm>>
    %dma_start3A_196 = tpu.memref_squeeze %dma_start3A_195 : memref<1x8x128xi32, #tpu.memory_space<hbm>> -> memref<8x128xi32, #tpu.memory_space<hbm>>
    tpu.enqueue_dma source(%dma_start3A_196 : memref<8x128xi32, #tpu.memory_space<hbm>>) target(%dma_start3A_193 : memref<8x128xi32, #tpu.memory_space<vmem>>) target_semaphore(%arg13 : memref<!tpu.dma_semaphore, #tpu.memory_space<semaphore_mem>>)
    %dma_start3A_197 = arith.constant 1 : i32
    %dma_start3A_198 = arith.constant 32 : i32
    %dma_start3A_199 = arith.constant 0 : i32
    %dma_start3A_200 = tpu.memref_slice %arg8[%dma_start3A_198, %dma_start3A_199] : memref<40x128xi32, #tpu.memory_space<vmem>> -> memref<8x128xi32, #tpu.memory_space<vmem>>
    %dma_start3A_201 = arith.constant 0 : i32
    %dma_start3A_202 = tpu.memref_slice %arg4[%dma_start3A_197, %mul3A_157, %dma_start3A_201] : memref<2x256x128xi32, #tpu.memory_space<hbm>> -> memref<1x8x128xi32, #tpu.memory_space<hbm>>
    %dma_start3A_203 = tpu.memref_squeeze %dma_start3A_202 : memref<1x8x128xi32, #tpu.memory_space<hbm>> -> memref<8x128xi32, #tpu.memory_space<hbm>>
    %dma_start3A_204 = arith.constant 32 : i32
    %dma_start3A_205 = arith.constant 0 : i32
    %dma_start3A_206 = tpu.memref_slice %arg8[%dma_start3A_204, %dma_start3A_205] : memref<40x128xi32, #tpu.memory_space<vmem>> -> memref<8x128xi32, #tpu.memory_space<vmem>>
    %dma_start3A_207 = arith.constant 0 : i32
    %dma_start3A_208 = tpu.memref_slice %arg4[%dma_start3A_197, %mul3A_157, %dma_start3A_207] : memref<2x256x128xi32, #tpu.memory_space<hbm>> -> memref<1x8x128xi32, #tpu.memory_space<hbm>>
    %dma_start3A_209 = tpu.memref_squeeze %dma_start3A_208 : memref<1x8x128xi32, #tpu.memory_space<hbm>> -> memref<8x128xi32, #tpu.memory_space<hbm>>
    tpu.enqueue_dma source(%dma_start3A_209 : memref<8x128xi32, #tpu.memory_space<hbm>>) target(%dma_start3A_206 : memref<8x128xi32, #tpu.memory_space<vmem>>) target_semaphore(%arg14 : memref<!tpu.dma_semaphore, #tpu.memory_space<semaphore_mem>>)
    %mul3A_210 = arith.constant 72 : i32
    %mul3A_211 = arith.muli %add3A, %mul3A_210 : i32
    %add3A_212 = arith.constant 40 : i32
    %add3A_213 = arith.addi %mul3A_211, %add3A_212 : i32
    %mul3A_214 = arith.constant 72 : i32
    %mul3A_215 = arith.muli %add3A, %mul3A_214 : i32
    %add3A_216 = arith.constant 40 : i32
    %add3A_217 = arith.addi %mul3A_215, %add3A_216 : i32
    %mul3A_218 = arith.constant 8 : i32
    %mul3A_219 = arith.muli %add3A, %mul3A_218 : i32
    %mul3A_220 = arith.constant 8 : i32
    %mul3A_221 = arith.muli %add3A, %mul3A_220 : i32
    %dma_wait3A_222 = arith.constant 0 : i32
    %dma_wait3A_223 = arith.constant 0 : i32
    %dma_wait3A_224 = arith.constant 0 : i32
    %dma_wait3A_225 = tpu.memref_slice %arg7[%dma_wait3A_223, %dma_wait3A_224] : memref<40x128xi32, #tpu.memory_space<vmem>> -> memref<32x128xi32, #tpu.memory_space<vmem>>
    %dma_wait3A_226 = arith.constant 0 : i32
    %dma_wait3A_227 = tpu.memref_slice %arg3[%dma_wait3A_222, %add3A_213, %dma_wait3A_226] : memref<2x2500x128xi32, #tpu.memory_space<hbm>> -> memref<1x32x128xi32, #tpu.memory_space<hbm>>
    %dma_wait3A_228 = tpu.memref_squeeze %dma_wait3A_227 : memref<1x32x128xi32, #tpu.memory_space<hbm>> -> memref<32x128xi32, #tpu.memory_space<hbm>>
    %dma_wait3A_229 = arith.constant 0 : i32
    %dma_wait3A_230 = arith.constant 0 : i32
    %dma_wait3A_231 = tpu.memref_slice %arg7[%dma_wait3A_229, %dma_wait3A_230] : memref<40x128xi32, #tpu.memory_space<vmem>> -> memref<32x128xi32, #tpu.memory_space<vmem>>
    %dma_wait3A_232 = arith.constant 0 : i32
    %dma_wait3A_233 = tpu.memref_slice %arg3[%dma_wait3A_222, %add3A_213, %dma_wait3A_232] : memref<2x2500x128xi32, #tpu.memory_space<hbm>> -> memref<1x32x128xi32, #tpu.memory_space<hbm>>
    %dma_wait3A_234 = tpu.memref_squeeze %dma_wait3A_233 : memref<1x32x128xi32, #tpu.memory_space<hbm>> -> memref<32x128xi32, #tpu.memory_space<hbm>>
    tpu.wait_dma2 semaphore(%arg11 : memref<!tpu.dma_semaphore, #tpu.memory_space<semaphore_mem>>) src(%dma_wait3A_234 : memref<32x128xi32, #tpu.memory_space<hbm>>) dst(%dma_wait3A_231 : memref<32x128xi32, #tpu.memory_space<vmem>>)
    %dma_wait3A_235 = arith.constant 1 : i32
    %dma_wait3A_236 = arith.constant 0 : i32
    %dma_wait3A_237 = arith.constant 0 : i32
    %dma_wait3A_238 = tpu.memref_slice %arg8[%dma_wait3A_236, %dma_wait3A_237] : memref<40x128xi32, #tpu.memory_space<vmem>> -> memref<32x128xi32, #tpu.memory_space<vmem>>
    %dma_wait3A_239 = arith.constant 0 : i32
    %dma_wait3A_240 = tpu.memref_slice %arg3[%dma_wait3A_235, %add3A_217, %dma_wait3A_239] : memref<2x2500x128xi32, #tpu.memory_space<hbm>> -> memref<1x32x128xi32, #tpu.memory_space<hbm>>
    %dma_wait3A_241 = tpu.memref_squeeze %dma_wait3A_240 : memref<1x32x128xi32, #tpu.memory_space<hbm>> -> memref<32x128xi32, #tpu.memory_space<hbm>>
    %dma_wait3A_242 = arith.constant 0 : i32
    %dma_wait3A_243 = arith.constant 0 : i32
    %dma_wait3A_244 = tpu.memref_slice %arg8[%dma_wait3A_242, %dma_wait3A_243] : memref<40x128xi32, #tpu.memory_space<vmem>> -> memref<32x128xi32, #tpu.memory_space<vmem>>
    %dma_wait3A_245 = arith.constant 0 : i32
    %dma_wait3A_246 = tpu.memref_slice %arg3[%dma_wait3A_235, %add3A_217, %dma_wait3A_245] : memref<2x2500x128xi32, #tpu.memory_space<hbm>> -> memref<1x32x128xi32, #tpu.memory_space<hbm>>
    %dma_wait3A_247 = tpu.memref_squeeze %dma_wait3A_246 : memref<1x32x128xi32, #tpu.memory_space<hbm>> -> memref<32x128xi32, #tpu.memory_space<hbm>>
    tpu.wait_dma2 semaphore(%arg12 : memref<!tpu.dma_semaphore, #tpu.memory_space<semaphore_mem>>) src(%dma_wait3A_247 : memref<32x128xi32, #tpu.memory_space<hbm>>) dst(%dma_wait3A_244 : memref<32x128xi32, #tpu.memory_space<vmem>>)
    %dma_wait3A_248 = arith.constant 0 : i32
    %dma_wait3A_249 = arith.constant 32 : i32
    %dma_wait3A_250 = arith.constant 0 : i32
    %dma_wait3A_251 = tpu.memref_slice %arg7[%dma_wait3A_249, %dma_wait3A_250] : memref<40x128xi32, #tpu.memory_space<vmem>> -> memref<8x128xi32, #tpu.memory_space<vmem>>
    %dma_wait3A_252 = arith.constant 0 : i32
    %dma_wait3A_253 = tpu.memref_slice %arg4[%dma_wait3A_248, %mul3A_219, %dma_wait3A_252] : memref<2x256x128xi32, #tpu.memory_space<hbm>> -> memref<1x8x128xi32, #tpu.memory_space<hbm>>
    %dma_wait3A_254 = tpu.memref_squeeze %dma_wait3A_253 : memref<1x8x128xi32, #tpu.memory_space<hbm>> -> memref<8x128xi32, #tpu.memory_space<hbm>>
    %dma_wait3A_255 = arith.constant 32 : i32
    %dma_wait3A_256 = arith.constant 0 : i32
    %dma_wait3A_257 = tpu.memref_slice %arg7[%dma_wait3A_255, %dma_wait3A_256] : memref<40x128xi32, #tpu.memory_space<vmem>> -> memref<8x128xi32, #tpu.memory_space<vmem>>
    %dma_wait3A_258 = arith.constant 0 : i32
    %dma_wait3A_259 = tpu.memref_slice %arg4[%dma_wait3A_248, %mul3A_219, %dma_wait3A_258] : memref<2x256x128xi32, #tpu.memory_space<hbm>> -> memref<1x8x128xi32, #tpu.memory_space<hbm>>
    %dma_wait3A_260 = tpu.memref_squeeze %dma_wait3A_259 : memref<1x8x128xi32, #tpu.memory_space<hbm>> -> memref<8x128xi32, #tpu.memory_space<hbm>>
    tpu.wait_dma2 semaphore(%arg13 : memref<!tpu.dma_semaphore, #tpu.memory_space<semaphore_mem>>) src(%dma_wait3A_260 : memref<8x128xi32, #tpu.memory_space<hbm>>) dst(%dma_wait3A_257 : memref<8x128xi32, #tpu.memory_space<vmem>>)
    %dma_wait3A_261 = arith.constant 1 : i32
    %dma_wait3A_262 = arith.constant 32 : i32
    %dma_wait3A_263 = arith.constant 0 : i32
    %dma_wait3A_264 = tpu.memref_slice %arg8[%dma_wait3A_262, %dma_wait3A_263] : memref<40x128xi32, #tpu.memory_space<vmem>> -> memref<8x128xi32, #tpu.memory_space<vmem>>
    %dma_wait3A_265 = arith.constant 0 : i32
    %dma_wait3A_266 = tpu.memref_slice %arg4[%dma_wait3A_261, %mul3A_221, %dma_wait3A_265] : memref<2x256x128xi32, #tpu.memory_space<hbm>> -> memref<1x8x128xi32, #tpu.memory_space<hbm>>
    %dma_wait3A_267 = tpu.memref_squeeze %dma_wait3A_266 : memref<1x8x128xi32, #tpu.memory_space<hbm>> -> memref<8x128xi32, #tpu.memory_space<hbm>>
    %dma_wait3A_268 = arith.constant 32 : i32
    %dma_wait3A_269 = arith.constant 0 : i32
    %dma_wait3A_270 = tpu.memref_slice %arg8[%dma_wait3A_268, %dma_wait3A_269] : memref<40x128xi32, #tpu.memory_space<vmem>> -> memref<8x128xi32, #tpu.memory_space<vmem>>
    %dma_wait3A_271 = arith.constant 0 : i32
    %dma_wait3A_272 = tpu.memref_slice %arg4[%dma_wait3A_261, %mul3A_221, %dma_wait3A_271] : memref<2x256x128xi32, #tpu.memory_space<hbm>> -> memref<1x8x128xi32, #tpu.memory_space<hbm>>
    %dma_wait3A_273 = tpu.memref_squeeze %dma_wait3A_272 : memref<1x8x128xi32, #tpu.memory_space<hbm>> -> memref<8x128xi32, #tpu.memory_space<hbm>>
    tpu.wait_dma2 semaphore(%arg14 : memref<!tpu.dma_semaphore, #tpu.memory_space<semaphore_mem>>) src(%dma_wait3A_273 : memref<8x128xi32, #tpu.memory_space<hbm>>) dst(%dma_wait3A_270 : memref<8x128xi32, #tpu.memory_space<vmem>>)
    %dma_start3A_274 = arith.constant 0 : i32
    %dma_start3A_275 = arith.constant 0 : i32
    %dma_start3A_276 = tpu.memref_slice %arg7[%dma_start3A_274, %dma_start3A_275] : memref<40x128xi32, #tpu.memory_space<vmem>> -> memref<1x128xi32, #tpu.memory_space<vmem>>
    %dma_start3A_277 = tpu.memref_squeeze %dma_start3A_276 : memref<1x128xi32, #tpu.memory_space<vmem>> -> memref<128xi32, #tpu.memory_space<vmem>>
    %dma_start3A_278 = arith.constant 0 : i32
    %dma_start3A_279 = arith.constant 0 : i32
    %dma_start3A_280 = tpu.memref_slice %arg2[%dma_start3A_278, %dma_start3A_279] : memref<10000x128xf32, #tpu.memory_space<hbm>> -> memref<10000x128xf32, #tpu.memory_space<hbm>>
    tpu.enqueue_indirect_dma source(%dma_start3A_280 : memref<10000x128xf32, #tpu.memory_space<hbm>>) target(%arg9 : memref<128x128xf32, #tpu.memory_space<vmem>>) offsets(%dma_start3A_277 : memref<128xi32, #tpu.memory_space<vmem>>) semaphore(%arg11 : memref<!tpu.dma_semaphore, #tpu.memory_space<semaphore_mem>>)
    %scan3A_281 = arith.constant 0 : i32
    %scan3A_282 = arith.constant 20 : i32
    %scan3A_283 = arith.addi %scan3A_281, %scan3A_282 : i32
    %scan3A_284 = arith.constant 1 : i32
    scf.for %scan3A_296 = %scan3A_281 to %scan3A_283 step %scan3A_284  : i32 {
      %mul3A_297 = arith.constant 1 : i32
      %mul3A_298 = arith.muli %scan3A_296, %mul3A_297 : i32
      %add3A_299 = arith.constant 0 : i32
      %add3A_300 = arith.addi %add3A_299, %mul3A_298 : i32
      %mul3A_301 = arith.constant 2 : i32
      %mul3A_302 = arith.muli %mul3A_301, %add3A_300 : i32
      %add3A_303 = arith.constant 1 : i32
      %add3A_304 = arith.addi %mul3A_302, %add3A_303 : i32
      %dma_wait3A_305 = arith.constant 0 : i32
      %dma_wait3A_306 = tpu.memref_slice %arg7[%mul3A_302, %dma_wait3A_305] : memref<40x128xi32, #tpu.memory_space<vmem>> -> memref<1x128xi32, #tpu.memory_space<vmem>>
      %dma_wait3A_307 = tpu.memref_squeeze %dma_wait3A_306 : memref<1x128xi32, #tpu.memory_space<vmem>> -> memref<128xi32, #tpu.memory_space<vmem>>
      %dma_wait3A_308 = arith.constant 0 : i32
      %dma_wait3A_309 = arith.constant 0 : i32
      %dma_wait3A_310 = tpu.memref_slice %arg2[%dma_wait3A_308, %dma_wait3A_309] : memref<10000x128xf32, #tpu.memory_space<hbm>> -> memref<10000x128xf32, #tpu.memory_space<hbm>>
      tpu.wait_indirect_dma semaphore(%arg11 : memref<!tpu.dma_semaphore, #tpu.memory_space<semaphore_mem>>) src(%dma_wait3A_310 : memref<10000x128xf32, #tpu.memory_space<hbm>>) dst(%arg9 : memref<128x128xf32, #tpu.memory_space<vmem>>)
      %dma_start3A_311 = arith.constant 0 : i32
      %dma_start3A_312 = tpu.memref_slice %arg7[%add3A_304, %dma_start3A_311] : memref<40x128xi32, #tpu.memory_space<vmem>> -> memref<1x128xi32, #tpu.memory_space<vmem>>
      %dma_start3A_313 = tpu.memref_squeeze %dma_start3A_312 : memref<1x128xi32, #tpu.memory_space<vmem>> -> memref<128xi32, #tpu.memory_space<vmem>>
      %dma_start3A_314 = arith.constant 0 : i32
      %dma_start3A_315 = arith.constant 0 : i32
      %dma_start3A_316 = tpu.memref_slice %arg2[%dma_start3A_314, %dma_start3A_315] : memref<10000x128xf32, #tpu.memory_space<hbm>> -> memref<10000x128xf32, #tpu.memory_space<hbm>>
      tpu.enqueue_indirect_dma source(%dma_start3A_316 : memref<10000x128xf32, #tpu.memory_space<hbm>>) target(%arg10 : memref<128x128xf32, #tpu.memory_space<vmem>>) offsets(%dma_start3A_313 : memref<128xi32, #tpu.memory_space<vmem>>) semaphore(%arg12 : memref<!tpu.dma_semaphore, #tpu.memory_space<semaphore_mem>>)
      %dma_start3A_317 = arith.constant 0 : i32
      %dma_start3A_318 = tpu.memref_slice %arg8[%mul3A_302, %dma_start3A_317] : memref<40x128xi32, #tpu.memory_space<vmem>> -> memref<1x128xi32, #tpu.memory_space<vmem>>
      %dma_start3A_319 = tpu.memref_squeeze %dma_start3A_318 : memref<1x128xi32, #tpu.memory_space<vmem>> -> memref<128xi32, #tpu.memory_space<vmem>>
      %dma_start3A_320 = arith.constant 0 : i32
      %dma_start3A_321 = arith.constant 0 : i32
      %dma_start3A_322 = tpu.memref_slice %arg6[%dma_start3A_320, %dma_start3A_321] : memref<10512x128xf32, #tpu.memory_space<vmem_shared>> -> memref<10512x128xf32, #tpu.memory_space<vmem_shared>>
      tpu.enqueue_indirect_dma source(%arg9 : memref<128x128xf32, #tpu.memory_space<vmem>>) target(%dma_start3A_322 : memref<10512x128xf32, #tpu.memory_space<vmem_shared>>) offsets(%dma_start3A_319 : memref<128xi32, #tpu.memory_space<vmem>>) semaphore(%arg15 : memref<!tpu.dma_semaphore, #tpu.memory_space<semaphore_mem>>) {add = true}
      %dma_wait3A_323 = arith.constant 0 : i32
      %dma_wait3A_324 = tpu.memref_slice %arg7[%add3A_304, %dma_wait3A_323] : memref<40x128xi32, #tpu.memory_space<vmem>> -> memref<1x128xi32, #tpu.memory_space<vmem>>
      %dma_wait3A_325 = tpu.memref_squeeze %dma_wait3A_324 : memref<1x128xi32, #tpu.memory_space<vmem>> -> memref<128xi32, #tpu.memory_space<vmem>>
      %dma_wait3A_326 = arith.constant 0 : i32
      %dma_wait3A_327 = arith.constant 0 : i32
      %dma_wait3A_328 = tpu.memref_slice %arg2[%dma_wait3A_326, %dma_wait3A_327] : memref<10000x128xf32, #tpu.memory_space<hbm>> -> memref<10000x128xf32, #tpu.memory_space<hbm>>
      tpu.wait_indirect_dma semaphore(%arg12 : memref<!tpu.dma_semaphore, #tpu.memory_space<semaphore_mem>>) src(%dma_wait3A_328 : memref<10000x128xf32, #tpu.memory_space<hbm>>) dst(%arg10 : memref<128x128xf32, #tpu.memory_space<vmem>>)
      %dma_start3A_329 = arith.constant 0 : i32
      %dma_start3A_330 = tpu.memref_slice %arg8[%add3A_304, %dma_start3A_329] : memref<40x128xi32, #tpu.memory_space<vmem>> -> memref<1x128xi32, #tpu.memory_space<vmem>>
      %dma_start3A_331 = tpu.memref_squeeze %dma_start3A_330 : memref<1x128xi32, #tpu.memory_space<vmem>> -> memref<128xi32, #tpu.memory_space<vmem>>
      %dma_start3A_332 = arith.constant 0 : i32
      %dma_start3A_333 = arith.constant 0 : i32
      %dma_start3A_334 = tpu.memref_slice %arg6[%dma_start3A_332, %dma_start3A_333] : memref<10512x128xf32, #tpu.memory_space<vmem_shared>> -> memref<10512x128xf32, #tpu.memory_space<vmem_shared>>
      tpu.enqueue_indirect_dma source(%arg10 : memref<128x128xf32, #tpu.memory_space<vmem>>) target(%dma_start3A_334 : memref<10512x128xf32, #tpu.memory_space<vmem_shared>>) offsets(%dma_start3A_331 : memref<128xi32, #tpu.memory_space<vmem>>) semaphore(%arg16 : memref<!tpu.dma_semaphore, #tpu.memory_space<semaphore_mem>>) {add = true}
      %dma_wait3A_335 = arith.constant 0 : i32
      %dma_wait3A_336 = tpu.memref_slice %arg8[%mul3A_302, %dma_wait3A_335] : memref<40x128xi32, #tpu.memory_space<vmem>> -> memref<1x128xi32, #tpu.memory_space<vmem>>
      %dma_wait3A_337 = tpu.memref_squeeze %dma_wait3A_336 : memref<1x128xi32, #tpu.memory_space<vmem>> -> memref<128xi32, #tpu.memory_space<vmem>>
      %dma_wait3A_338 = arith.constant 0 : i32
      %dma_wait3A_339 = arith.constant 0 : i32
      %dma_wait3A_340 = tpu.memref_slice %arg6[%dma_wait3A_338, %dma_wait3A_339] : memref<10512x128xf32, #tpu.memory_space<vmem_shared>> -> memref<10512x128xf32, #tpu.memory_space<vmem_shared>>
      tpu.wait_indirect_dma semaphore(%arg15 : memref<!tpu.dma_semaphore, #tpu.memory_space<semaphore_mem>>) src(%arg9 : memref<128x128xf32, #tpu.memory_space<vmem>>) dst(%dma_wait3A_340 : memref<10512x128xf32, #tpu.memory_space<vmem_shared>>)
      %lt3A = arith.constant 19 : i32
      %lt3A_341 = arith.cmpi slt, %add3A_300, %lt3A : i32
      %convert_element_type3A_342 = arith.extui %lt3A_341 : i1 to i32
      %cond3A_343 = arith.constant 0 : i32
      %cond3A_344 = arith.cmpi ne, %convert_element_type3A_342, %cond3A_343 : i32
      scf.if %cond3A_344 {
        %add3A_351 = arith.constant 2 : i32
        %add3A_352 = arith.addi %mul3A_302, %add3A_351 : i32
        %dma_start3A_353 = arith.constant 0 : i32
        %dma_start3A_354 = tpu.memref_slice %arg7[%add3A_352, %dma_start3A_353] : memref<40x128xi32, #tpu.memory_space<vmem>> -> memref<1x128xi32, #tpu.memory_space<vmem>>
        %dma_start3A_355 = tpu.memref_squeeze %dma_start3A_354 : memref<1x128xi32, #tpu.memory_space<vmem>> -> memref<128xi32, #tpu.memory_space<vmem>>
        %dma_start3A_356 = arith.constant 0 : i32
        %dma_start3A_357 = arith.constant 0 : i32
        %dma_start3A_358 = tpu.memref_slice %arg2[%dma_start3A_356, %dma_start3A_357] : memref<10000x128xf32, #tpu.memory_space<hbm>> -> memref<10000x128xf32, #tpu.memory_space<hbm>>
        tpu.enqueue_indirect_dma source(%dma_start3A_358 : memref<10000x128xf32, #tpu.memory_space<hbm>>) target(%arg9 : memref<128x128xf32, #tpu.memory_space<vmem>>) offsets(%dma_start3A_355 : memref<128xi32, #tpu.memory_space<vmem>>) semaphore(%arg11 : memref<!tpu.dma_semaphore, #tpu.memory_space<semaphore_mem>>)
      } else {
      }
      %dma_wait3A_345 = arith.constant 0 : i32
      %dma_wait3A_346 = tpu.memref_slice %arg8[%add3A_304, %dma_wait3A_345] : memref<40x128xi32, #tpu.memory_space<vmem>> -> memref<1x128xi32, #tpu.memory_space<vmem>>
      %dma_wait3A_347 = tpu.memref_squeeze %dma_wait3A_346 : memref<1x128xi32, #tpu.memory_space<vmem>> -> memref<128xi32, #tpu.memory_space<vmem>>
      %dma_wait3A_348 = arith.constant 0 : i32
      %dma_wait3A_349 = arith.constant 0 : i32
      %dma_wait3A_350 = tpu.memref_slice %arg6[%dma_wait3A_348, %dma_wait3A_349] : memref<10512x128xf32, #tpu.memory_space<vmem_shared>> -> memref<10512x128xf32, #tpu.memory_space<vmem_shared>>
      tpu.wait_indirect_dma semaphore(%arg16 : memref<!tpu.dma_semaphore, #tpu.memory_space<semaphore_mem>>) src(%arg10 : memref<128x128xf32, #tpu.memory_space<vmem>>) dst(%dma_wait3A_350 : memref<10512x128xf32, #tpu.memory_space<vmem_shared>>)
    }
    %scan3A_285 = arith.constant 20 : i32
    %barrier3A_286 = arith.constant 0 : index
    tpu.barrier barrier_id(%barrier3A_286)
    %mul3A_287 = arith.constant 624 : i32
    %mul3A_288 = arith.muli %arg1, %mul3A_287 : i32
    %mul3A_289 = arith.constant 624 : i32
    %mul3A_290 = arith.muli %arg1, %mul3A_289 : i32
    "tpu.region"() ({
      %run_scoped3A = tpu.sem_alloc : memref<!tpu.dma_semaphore, #tpu.memory_space<semaphore_mem>>
      %dma_start3A_296 = arith.constant 0 : i32
      %dma_start3A_297 = tpu.memref_slice %arg5[%arg0, %mul3A_290, %dma_start3A_296] : memref<2x10000x128xf32, #tpu.memory_space<hbm>> -> memref<1x624x128xf32, #tpu.memory_space<hbm>>
      %dma_start3A_298 = tpu.memref_squeeze %dma_start3A_297 : memref<1x624x128xf32, #tpu.memory_space<hbm>> -> memref<624x128xf32, #tpu.memory_space<hbm>>
      %dma_start3A_299 = arith.constant 0 : i32
      %dma_start3A_300 = tpu.memref_slice %arg6[%mul3A_288, %dma_start3A_299] : memref<10512x128xf32, #tpu.memory_space<vmem_shared>> -> memref<624x128xf32, #tpu.memory_space<vmem_shared>>
      tpu.enqueue_dma source(%dma_start3A_300 : memref<624x128xf32, #tpu.memory_space<vmem_shared>>) target(%dma_start3A_298 : memref<624x128xf32, #tpu.memory_space<hbm>>) target_semaphore(%run_scoped3A : memref<!tpu.dma_semaphore, #tpu.memory_space<semaphore_mem>>)
      %dma_wait3A_301 = arith.constant 0 : i32
      %dma_wait3A_302 = tpu.memref_slice %arg5[%arg0, %mul3A_290, %dma_wait3A_301] : memref<2x10000x128xf32, #tpu.memory_space<hbm>> -> memref<1x624x128xf32, #tpu.memory_space<hbm>>
      %dma_wait3A_303 = tpu.memref_squeeze %dma_wait3A_302 : memref<1x624x128xf32, #tpu.memory_space<hbm>> -> memref<624x128xf32, #tpu.memory_space<hbm>>
      %dma_wait3A_304 = arith.constant 0 : i32
      %dma_wait3A_305 = tpu.memref_slice %arg6[%mul3A_288, %dma_wait3A_304] : memref<10512x128xf32, #tpu.memory_space<vmem_shared>> -> memref<624x128xf32, #tpu.memory_space<vmem_shared>>
      tpu.wait_dma2 semaphore(%run_scoped3A : memref<!tpu.dma_semaphore, #tpu.memory_space<semaphore_mem>>) src(%dma_wait3A_305 : memref<624x128xf32, #tpu.memory_space<vmem_shared>>) dst(%dma_wait3A_303 : memref<624x128xf32, #tpu.memory_space<hbm>>)
      tpu.yield
    }) : () -> ()
    %eq3A_291 = arith.constant 0 : i32
    %eq3A_292 = arith.cmpi eq, %arg1, %eq3A_291 : i32
    %convert_element_type3A_293 = arith.extui %eq3A_292 : i1 to i32
    %cond3A_294 = arith.constant 0 : i32
    %cond3A_295 = arith.cmpi ne, %convert_element_type3A_293, %cond3A_294 : i32
    scf.if %cond3A_295 {
      "tpu.region"() ({
        %run_scoped3A = tpu.sem_alloc : memref<!tpu.dma_semaphore, #tpu.memory_space<semaphore_mem>>
        %dma_start3A_296 = arith.constant 9984 : i32
        %dma_start3A_297 = arith.constant 0 : i32
        %dma_start3A_298 = tpu.memref_slice %arg5[%arg0, %dma_start3A_296, %dma_start3A_297] : memref<2x10000x128xf32, #tpu.memory_space<hbm>> -> memref<1x16x128xf32, #tpu.memory_space<hbm>>
        %dma_start3A_299 = tpu.memref_squeeze %dma_start3A_298 : memref<1x16x128xf32, #tpu.memory_space<hbm>> -> memref<16x128xf32, #tpu.memory_space<hbm>>
        %dma_start3A_300 = arith.constant 9984 : i32
        %dma_start3A_301 = arith.constant 0 : i32
        %dma_start3A_302 = tpu.memref_slice %arg6[%dma_start3A_300, %dma_start3A_301] : memref<10512x128xf32, #tpu.memory_space<vmem_shared>> -> memref<16x128xf32, #tpu.memory_space<vmem_shared>>
        tpu.enqueue_dma source(%dma_start3A_302 : memref<16x128xf32, #tpu.memory_space<vmem_shared>>) target(%dma_start3A_299 : memref<16x128xf32, #tpu.memory_space<hbm>>) target_semaphore(%run_scoped3A : memref<!tpu.dma_semaphore, #tpu.memory_space<semaphore_mem>>)
        %dma_wait3A_303 = arith.constant 9984 : i32
        %dma_wait3A_304 = arith.constant 0 : i32
        %dma_wait3A_305 = tpu.memref_slice %arg5[%arg0, %dma_wait3A_303, %dma_wait3A_304] : memref<2x10000x128xf32, #tpu.memory_space<hbm>> -> memref<1x16x128xf32, #tpu.memory_space<hbm>>
        %dma_wait3A_306 = tpu.memref_squeeze %dma_wait3A_305 : memref<1x16x128xf32, #tpu.memory_space<hbm>> -> memref<16x128xf32, #tpu.memory_space<hbm>>
        %dma_wait3A_307 = arith.constant 9984 : i32
        %dma_wait3A_308 = arith.constant 0 : i32
        %dma_wait3A_309 = tpu.memref_slice %arg6[%dma_wait3A_307, %dma_wait3A_308] : memref<10512x128xf32, #tpu.memory_space<vmem_shared>> -> memref<16x128xf32, #tpu.memory_space<vmem_shared>>
        tpu.wait_dma2 semaphore(%run_scoped3A : memref<!tpu.dma_semaphore, #tpu.memory_space<semaphore_mem>>) src(%dma_wait3A_309 : memref<16x128xf32, #tpu.memory_space<vmem_shared>>) dst(%dma_wait3A_306 : memref<16x128xf32, #tpu.memory_space<hbm>>)
        tpu.yield
      }) : () -> ()
    } else {
    }
    return
  }
}

#map = affine_map<(d0, d1) -> (0, 0)>
#map1 = affine_map<(d0, d1) -> (0, 0, 0)>
module attributes {stable_mosaic.version = 14 : i64} {
  func.func @k(%arg0: i32, %arg1: i32, %arg2: memref<10000x128xf32, #tpu.memory_space<hbm>>, %arg3: memref<2x2500x128xi32, #tpu.memory_space<hbm>>, %arg4: memref<2x256x128xi32, #tpu.memory_space<hbm>>, %arg5: memref<2x10000x128xf32, #tpu.memory_space<hbm>>, %arg6: memref<10512x128xf32, #tpu.memory_space<vmem_shared>>, %arg7: memref<40x128xi32, #tpu.memory_space<vmem>>, %arg8: memref<40x128xi32, #tpu.memory_space<vmem>>, %arg9: memref<128x128xf32, #tpu.memory_space<vmem>>, %arg10: memref<128x128xf32, #tpu.memory_space<vmem>>, %arg11: memref<!tpu.dma_semaphore, #tpu.memory_space<semaphore_mem>>, %arg12: memref<!tpu.dma_semaphore, #tpu.memory_space<semaphore_mem>>, %arg13: memref<!tpu.dma_semaphore, #tpu.memory_space<semaphore_mem>>, %arg14: memref<!tpu.dma_semaphore, #tpu.memory_space<semaphore_mem>>, %arg15: memref<!tpu.dma_semaphore, #tpu.memory_space<semaphore_mem>>, %arg16: memref<!tpu.dma_semaphore, #tpu.memory_space<semaphore_mem>>) attributes {dimension_semantics = [#tpu.dimension_semantics<core_parallel>, #tpu.dimension_semantics<subcore_parallel>], iteration_bounds = array<i64: 2, 16>, scalar_prefetch = 0 : i64, scratch_operands = 11 : i64, tpu.core_type = #tpu.core_type<sc_vector_subcore>, window_params = [{transform_indices = #map}, {transform_indices = #map1}, {transform_indices = #map1}, {transform_indices = #map1}]} {
    %mul3A = arith.constant 16 : i32
    %mul3A_0 = arith.muli %arg0, %mul3A : i32
    %add3A = arith.addi %mul3A_0, %arg1 : i32
    %mul3A_1 = arith.constant 72 : i32
    %mul3A_2 = arith.muli %add3A, %mul3A_1 : i32
    %mul3A_3 = arith.constant 72 : i32
    %mul3A_4 = arith.muli %add3A, %mul3A_3 : i32
    %dma_start3A = arith.constant 0 : i32
    %dma_start3A_5 = arith.constant 0 : i32
    %dma_start3A_6 = tpu.memref_slice %arg3[%dma_start3A, %mul3A_2, %dma_start3A_5] : memref<2x2500x128xi32, #tpu.memory_space<hbm>> -> memref<1x40x128xi32, #tpu.memory_space<hbm>>
    %dma_start3A_7 = tpu.memref_squeeze %dma_start3A_6 : memref<1x40x128xi32, #tpu.memory_space<hbm>> -> memref<40x128xi32, #tpu.memory_space<hbm>>
    %dma_start3A_8 = arith.constant 0 : i32
    %dma_start3A_9 = tpu.memref_slice %arg3[%dma_start3A, %mul3A_2, %dma_start3A_8] : memref<2x2500x128xi32, #tpu.memory_space<hbm>> -> memref<1x40x128xi32, #tpu.memory_space<hbm>>
    %dma_start3A_10 = tpu.memref_squeeze %dma_start3A_9 : memref<1x40x128xi32, #tpu.memory_space<hbm>> -> memref<40x128xi32, #tpu.memory_space<hbm>>
    tpu.enqueue_dma source(%dma_start3A_10 : memref<40x128xi32, #tpu.memory_space<hbm>>) target(%arg7 : memref<40x128xi32, #tpu.memory_space<vmem>>) target_semaphore(%arg11 : memref<!tpu.dma_semaphore, #tpu.memory_space<semaphore_mem>>)
    %dma_start3A_11 = arith.constant 1 : i32
    %dma_start3A_12 = arith.constant 0 : i32
    %dma_start3A_13 = tpu.memref_slice %arg3[%dma_start3A_11, %mul3A_4, %dma_start3A_12] : memref<2x2500x128xi32, #tpu.memory_space<hbm>> -> memref<1x40x128xi32, #tpu.memory_space<hbm>>
    %dma_start3A_14 = tpu.memref_squeeze %dma_start3A_13 : memref<1x40x128xi32, #tpu.memory_space<hbm>> -> memref<40x128xi32, #tpu.memory_space<hbm>>
    %dma_start3A_15 = arith.constant 0 : i32
    %dma_start3A_16 = tpu.memref_slice %arg3[%dma_start3A_11, %mul3A_4, %dma_start3A_15] : memref<2x2500x128xi32, #tpu.memory_space<hbm>> -> memref<1x40x128xi32, #tpu.memory_space<hbm>>
    %dma_start3A_17 = tpu.memref_squeeze %dma_start3A_16 : memref<1x40x128xi32, #tpu.memory_space<hbm>> -> memref<40x128xi32, #tpu.memory_space<hbm>>
    tpu.enqueue_dma source(%dma_start3A_17 : memref<40x128xi32, #tpu.memory_space<hbm>>) target(%arg8 : memref<40x128xi32, #tpu.memory_space<vmem>>) target_semaphore(%arg12 : memref<!tpu.dma_semaphore, #tpu.memory_space<semaphore_mem>>)
    %broadcast_in_dim3A = arith.constant 0.000000e+00 : f32
    %broadcast_in_dim3A_18 = vector.broadcast %broadcast_in_dim3A : f32 to vector<16xf32>
    %scan3A = arith.constant 0 : i32
    %scan3A_19 = arith.constant 128 : i32
    %scan3A_20 = arith.addi %scan3A, %scan3A_19 : i32
    %scan3A_21 = arith.constant 1 : i32
    scf.for %scan3A_296 = %scan3A to %scan3A_20 step %scan3A_21  : i32 {
      %mul3A_297 = arith.constant 1 : i32
      %mul3A_298 = arith.muli %scan3A_296, %mul3A_297 : i32
      %add3A_299 = arith.constant 0 : i32
      %add3A_300 = arith.addi %add3A_299, %mul3A_298 : i32
      %scan3A_301 = arith.constant 0 : i32
      %scan3A_302 = arith.constant 8 : i32
      %scan3A_303 = arith.addi %scan3A_301, %scan3A_302 : i32
      %scan3A_304 = arith.constant 1 : i32
      scf.for %scan3A_306 = %scan3A_301 to %scan3A_303 step %scan3A_304  : i32 {
        %mul3A_307 = arith.constant 16 : i32
        %mul3A_308 = arith.muli %scan3A_306, %mul3A_307 : i32
        %add3A_309 = arith.constant 0 : i32
        %add3A_310 = arith.addi %add3A_309, %mul3A_308 : i32
        %swap3A = arith.index_cast %add3A_300 : i32 to index
        %swap3A_311 = arith.index_cast %add3A_310 : i32 to index
        %swap3A_312 = tpu.vector_load %arg9[%swap3A, %swap3A_311] {strides = array<i32>} : memref<128x128xf32, #tpu.memory_space<vmem>>, vector<1x16xf32>,
        %swap3A_313 = vector.shape_cast %swap3A_312 : vector<1x16xf32> to vector<16xf32>
        %swap3A_314 = vector.shape_cast %broadcast_in_dim3A_18 : vector<16xf32> to vector<1x16xf32>
        tpu.vector_store %arg9[%swap3A, %swap3A_311], %swap3A_314 {strides = array<i32>} : memref<128x128xf32, #tpu.memory_space<vmem>>, vector<1x16xf32>,
      }
      %scan3A_305 = arith.constant 8 : i32
    }
    %scan3A_22 = arith.constant 128 : i32
    %mul3A_23 = arith.constant 624 : i32
    %mul3A_24 = arith.muli %arg1, %mul3A_23 : i32
    %add3A_25 = arith.constant 0 : i32
    %add3A_26 = arith.addi %mul3A_24, %add3A_25 : i32
    %mul3A_27 = arith.constant 624 : i32
    %mul3A_28 = arith.muli %arg1, %mul3A_27 : i32
    %add3A_29 = arith.constant 128 : i32
    %add3A_30 = arith.addi %mul3A_28, %add3A_29 : i32
    %mul3A_31 = arith.constant 624 : i32
    %mul3A_32 = arith.muli %arg1, %mul3A_31 : i32
    %add3A_33 = arith.constant 256 : i32
    %add3A_34 = arith.addi %mul3A_32, %add3A_33 : i32
    %mul3A_35 = arith.constant 624 : i32
    %mul3A_36 = arith.muli %arg1, %mul3A_35 : i32
    %add3A_37 = arith.constant 384 : i32
    %add3A_38 = arith.addi %mul3A_36, %add3A_37 : i32
    %mul3A_39 = arith.constant 624 : i32
    %mul3A_40 = arith.muli %arg1, %mul3A_39 : i32
    %add3A_41 = arith.constant 512 : i32
    %add3A_42 = arith.addi %mul3A_40, %add3A_41 : i32
    %dma_start3A_43 = arith.constant 0 : i32
    %dma_start3A_44 = tpu.memref_slice %arg6[%add3A_26, %dma_start3A_43] : memref<10512x128xf32, #tpu.memory_space<vmem_shared>> -> memref<128x128xf32, #tpu.memory_space<vmem_shared>>
    %dma_start3A_45 = arith.constant 0 : i32
    %dma_start3A_46 = tpu.memref_slice %arg6[%add3A_26, %dma_start3A_45] : memref<10512x128xf32, #tpu.memory_space<vmem_shared>> -> memref<128x128xf32, #tpu.memory_space<vmem_shared>>
    tpu.enqueue_dma source(%arg9 : memref<128x128xf32, #tpu.memory_space<vmem>>) target(%dma_start3A_46 : memref<128x128xf32, #tpu.memory_space<vmem_shared>>) target_semaphore(%arg13 : memref<!tpu.dma_semaphore, #tpu.memory_space<semaphore_mem>>)
    %dma_start3A_47 = arith.constant 0 : i32
    %dma_start3A_48 = tpu.memref_slice %arg6[%add3A_30, %dma_start3A_47] : memref<10512x128xf32, #tpu.memory_space<vmem_shared>> -> memref<128x128xf32, #tpu.memory_space<vmem_shared>>
    %dma_start3A_49 = arith.constant 0 : i32
    %dma_start3A_50 = tpu.memref_slice %arg6[%add3A_30, %dma_start3A_49] : memref<10512x128xf32, #tpu.memory_space<vmem_shared>> -> memref<128x128xf32, #tpu.memory_space<vmem_shared>>
    tpu.enqueue_dma source(%arg9 : memref<128x128xf32, #tpu.memory_space<vmem>>) target(%dma_start3A_50 : memref<128x128xf32, #tpu.memory_space<vmem_shared>>) target_semaphore(%arg13 : memref<!tpu.dma_semaphore, #tpu.memory_space<semaphore_mem>>)
    %dma_start3A_51 = arith.constant 0 : i32
    %dma_start3A_52 = tpu.memref_slice %arg6[%add3A_34, %dma_start3A_51] : memref<10512x128xf32, #tpu.memory_space<vmem_shared>> -> memref<128x128xf32, #tpu.memory_space<vmem_shared>>
    %dma_start3A_53 = arith.constant 0 : i32
    %dma_start3A_54 = tpu.memref_slice %arg6[%add3A_34, %dma_start3A_53] : memref<10512x128xf32, #tpu.memory_space<vmem_shared>> -> memref<128x128xf32, #tpu.memory_space<vmem_shared>>
    tpu.enqueue_dma source(%arg9 : memref<128x128xf32, #tpu.memory_space<vmem>>) target(%dma_start3A_54 : memref<128x128xf32, #tpu.memory_space<vmem_shared>>) target_semaphore(%arg13 : memref<!tpu.dma_semaphore, #tpu.memory_space<semaphore_mem>>)
    %dma_start3A_55 = arith.constant 0 : i32
    %dma_start3A_56 = tpu.memref_slice %arg6[%add3A_38, %dma_start3A_55] : memref<10512x128xf32, #tpu.memory_space<vmem_shared>> -> memref<128x128xf32, #tpu.memory_space<vmem_shared>>
    %dma_start3A_57 = arith.constant 0 : i32
    %dma_start3A_58 = tpu.memref_slice %arg6[%add3A_38, %dma_start3A_57] : memref<10512x128xf32, #tpu.memory_space<vmem_shared>> -> memref<128x128xf32, #tpu.memory_space<vmem_shared>>
    tpu.enqueue_dma source(%arg9 : memref<128x128xf32, #tpu.memory_space<vmem>>) target(%dma_start3A_58 : memref<128x128xf32, #tpu.memory_space<vmem_shared>>) target_semaphore(%arg13 : memref<!tpu.dma_semaphore, #tpu.memory_space<semaphore_mem>>)
    %dma_start3A_59 = arith.constant 0 : i32
    %dma_start3A_60 = arith.constant 0 : i32
    %dma_start3A_61 = tpu.memref_slice %arg9[%dma_start3A_59, %dma_start3A_60] : memref<128x128xf32, #tpu.memory_space<vmem>> -> memref<112x128xf32, #tpu.memory_space<vmem>>
    %dma_start3A_62 = arith.constant 0 : i32
    %dma_start3A_63 = tpu.memref_slice %arg6[%add3A_42, %dma_start3A_62] : memref<10512x128xf32, #tpu.memory_space<vmem_shared>> -> memref<112x128xf32, #tpu.memory_space<vmem_shared>>
    %dma_start3A_64 = arith.constant 0 : i32
    %dma_start3A_65 = tpu.memref_slice %arg6[%add3A_42, %dma_start3A_64] : memref<10512x128xf32, #tpu.memory_space<vmem_shared>> -> memref<112x128xf32, #tpu.memory_space<vmem_shared>>
    %dma_start3A_66 = arith.constant 0 : i32
    %dma_start3A_67 = arith.constant 0 : i32
    %dma_start3A_68 = tpu.memref_slice %arg9[%dma_start3A_66, %dma_start3A_67] : memref<128x128xf32, #tpu.memory_space<vmem>> -> memref<112x128xf32, #tpu.memory_space<vmem>>
    tpu.enqueue_dma source(%dma_start3A_68 : memref<112x128xf32, #tpu.memory_space<vmem>>) target(%dma_start3A_65 : memref<112x128xf32, #tpu.memory_space<vmem_shared>>) target_semaphore(%arg14 : memref<!tpu.dma_semaphore, #tpu.memory_space<semaphore_mem>>)
    %mul3A_69 = arith.constant 624 : i32
    %mul3A_70 = arith.muli %arg1, %mul3A_69 : i32
    %add3A_71 = arith.constant 0 : i32
    %add3A_72 = arith.addi %mul3A_70, %add3A_71 : i32
    %mul3A_73 = arith.constant 624 : i32
    %mul3A_74 = arith.muli %arg1, %mul3A_73 : i32
    %add3A_75 = arith.constant 128 : i32
    %add3A_76 = arith.addi %mul3A_74, %add3A_75 : i32
    %mul3A_77 = arith.constant 624 : i32
    %mul3A_78 = arith.muli %arg1, %mul3A_77 : i32
    %add3A_79 = arith.constant 256 : i32
    %add3A_80 = arith.addi %mul3A_78, %add3A_79 : i32
    %mul3A_81 = arith.constant 624 : i32
    %mul3A_82 = arith.muli %arg1, %mul3A_81 : i32
    %add3A_83 = arith.constant 384 : i32
    %add3A_84 = arith.addi %mul3A_82, %add3A_83 : i32
    %mul3A_85 = arith.constant 624 : i32
    %mul3A_86 = arith.muli %arg1, %mul3A_85 : i32
    %add3A_87 = arith.constant 512 : i32
    %add3A_88 = arith.addi %mul3A_86, %add3A_87 : i32
    %dma_wait3A = arith.constant 0 : i32
    %dma_wait3A_89 = tpu.memref_slice %arg6[%add3A_72, %dma_wait3A] : memref<10512x128xf32, #tpu.memory_space<vmem_shared>> -> memref<128x128xf32, #tpu.memory_space<vmem_shared>>
    %dma_wait3A_90 = arith.constant 0 : i32
    %dma_wait3A_91 = tpu.memref_slice %arg6[%add3A_72, %dma_wait3A_90] : memref<10512x128xf32, #tpu.memory_space<vmem_shared>> -> memref<128x128xf32, #tpu.memory_space<vmem_shared>>
    tpu.wait_dma2 semaphore(%arg13 : memref<!tpu.dma_semaphore, #tpu.memory_space<semaphore_mem>>) src(%arg9 : memref<128x128xf32, #tpu.memory_space<vmem>>) dst(%dma_wait3A_91 : memref<128x128xf32, #tpu.memory_space<vmem_shared>>)
    %dma_wait3A_92 = arith.constant 0 : i32
    %dma_wait3A_93 = tpu.memref_slice %arg6[%add3A_76, %dma_wait3A_92] : memref<10512x128xf32, #tpu.memory_space<vmem_shared>> -> memref<128x128xf32, #tpu.memory_space<vmem_shared>>
    %dma_wait3A_94 = arith.constant 0 : i32
    %dma_wait3A_95 = tpu.memref_slice %arg6[%add3A_76, %dma_wait3A_94] : memref<10512x128xf32, #tpu.memory_space<vmem_shared>> -> memref<128x128xf32, #tpu.memory_space<vmem_shared>>
    tpu.wait_dma2 semaphore(%arg13 : memref<!tpu.dma_semaphore, #tpu.memory_space<semaphore_mem>>) src(%arg9 : memref<128x128xf32, #tpu.memory_space<vmem>>) dst(%dma_wait3A_95 : memref<128x128xf32, #tpu.memory_space<vmem_shared>>)
    %dma_wait3A_96 = arith.constant 0 : i32
    %dma_wait3A_97 = tpu.memref_slice %arg6[%add3A_80, %dma_wait3A_96] : memref<10512x128xf32, #tpu.memory_space<vmem_shared>> -> memref<128x128xf32, #tpu.memory_space<vmem_shared>>
    %dma_wait3A_98 = arith.constant 0 : i32
    %dma_wait3A_99 = tpu.memref_slice %arg6[%add3A_80, %dma_wait3A_98] : memref<10512x128xf32, #tpu.memory_space<vmem_shared>> -> memref<128x128xf32, #tpu.memory_space<vmem_shared>>
    tpu.wait_dma2 semaphore(%arg13 : memref<!tpu.dma_semaphore, #tpu.memory_space<semaphore_mem>>) src(%arg9 : memref<128x128xf32, #tpu.memory_space<vmem>>) dst(%dma_wait3A_99 : memref<128x128xf32, #tpu.memory_space<vmem_shared>>)
    %dma_wait3A_100 = arith.constant 0 : i32
    %dma_wait3A_101 = tpu.memref_slice %arg6[%add3A_84, %dma_wait3A_100] : memref<10512x128xf32, #tpu.memory_space<vmem_shared>> -> memref<128x128xf32, #tpu.memory_space<vmem_shared>>
    %dma_wait3A_102 = arith.constant 0 : i32
    %dma_wait3A_103 = tpu.memref_slice %arg6[%add3A_84, %dma_wait3A_102] : memref<10512x128xf32, #tpu.memory_space<vmem_shared>> -> memref<128x128xf32, #tpu.memory_space<vmem_shared>>
    tpu.wait_dma2 semaphore(%arg13 : memref<!tpu.dma_semaphore, #tpu.memory_space<semaphore_mem>>) src(%arg9 : memref<128x128xf32, #tpu.memory_space<vmem>>) dst(%dma_wait3A_103 : memref<128x128xf32, #tpu.memory_space<vmem_shared>>)
    %dma_wait3A_104 = arith.constant 0 : i32
    %dma_wait3A_105 = arith.constant 0 : i32
    %dma_wait3A_106 = tpu.memref_slice %arg9[%dma_wait3A_104, %dma_wait3A_105] : memref<128x128xf32, #tpu.memory_space<vmem>> -> memref<112x128xf32, #tpu.memory_space<vmem>>
    %dma_wait3A_107 = arith.constant 0 : i32
    %dma_wait3A_108 = tpu.memref_slice %arg6[%add3A_88, %dma_wait3A_107] : memref<10512x128xf32, #tpu.memory_space<vmem_shared>> -> memref<112x128xf32, #tpu.memory_space<vmem_shared>>
    %dma_wait3A_109 = arith.constant 0 : i32
    %dma_wait3A_110 = tpu.memref_slice %arg6[%add3A_88, %dma_wait3A_109] : memref<10512x128xf32, #tpu.memory_space<vmem_shared>> -> memref<112x128xf32, #tpu.memory_space<vmem_shared>>
    %dma_wait3A_111 = arith.constant 0 : i32
    %dma_wait3A_112 = arith.constant 0 : i32
    %dma_wait3A_113 = tpu.memref_slice %arg9[%dma_wait3A_111, %dma_wait3A_112] : memref<128x128xf32, #tpu.memory_space<vmem>> -> memref<112x128xf32, #tpu.memory_space<vmem>>
    tpu.wait_dma2 semaphore(%arg14 : memref<!tpu.dma_semaphore, #tpu.memory_space<semaphore_mem>>) src(%dma_wait3A_113 : memref<112x128xf32, #tpu.memory_space<vmem>>) dst(%dma_wait3A_110 : memref<112x128xf32, #tpu.memory_space<vmem_shared>>)
    %eq3A = arith.constant 0 : i32
    %eq3A_114 = arith.cmpi eq, %arg1, %eq3A : i32
    %convert_element_type3A = arith.extui %eq3A_114 : i1 to i32
    %cond3A = arith.constant 0 : i32
    %cond3A_115 = arith.cmpi ne, %convert_element_type3A, %cond3A : i32
    scf.if %cond3A_115 {
      "tpu.region"() ({
        %run_scoped3A = tpu.sem_alloc : memref<!tpu.dma_semaphore, #tpu.memory_space<semaphore_mem>>
        %dma_start3A_296 = arith.constant 0 : i32
        %dma_start3A_297 = arith.constant 0 : i32
        %dma_start3A_298 = tpu.memref_slice %arg9[%dma_start3A_296, %dma_start3A_297] : memref<128x128xf32, #tpu.memory_space<vmem>> -> memref<16x128xf32, #tpu.memory_space<vmem>>
        %dma_start3A_299 = arith.constant 9984 : i32
        %dma_start3A_300 = arith.constant 0 : i32
        %dma_start3A_301 = tpu.memref_slice %arg6[%dma_start3A_299, %dma_start3A_300] : memref<10512x128xf32, #tpu.memory_space<vmem_shared>> -> memref<16x128xf32, #tpu.memory_space<vmem_shared>>
        %dma_start3A_302 = arith.constant 9984 : i32
        %dma_start3A_303 = arith.constant 0 : i32
        %dma_start3A_304 = tpu.memref_slice %arg6[%dma_start3A_302, %dma_start3A_303] : memref<10512x128xf32, #tpu.memory_space<vmem_shared>> -> memref<16x128xf32, #tpu.memory_space<vmem_shared>>
        %dma_start3A_305 = arith.constant 0 : i32
        %dma_start3A_306 = arith.constant 0 : i32
        %dma_start3A_307 = tpu.memref_slice %arg9[%dma_start3A_305, %dma_start3A_306] : memref<128x128xf32, #tpu.memory_space<vmem>> -> memref<16x128xf32, #tpu.memory_space<vmem>>
        tpu.enqueue_dma source(%dma_start3A_307 : memref<16x128xf32, #tpu.memory_space<vmem>>) target(%dma_start3A_304 : memref<16x128xf32, #tpu.memory_space<vmem_shared>>) target_semaphore(%run_scoped3A : memref<!tpu.dma_semaphore, #tpu.memory_space<semaphore_mem>>)
        %dma_wait3A_308 = arith.constant 0 : i32
        %dma_wait3A_309 = arith.constant 0 : i32
        %dma_wait3A_310 = tpu.memref_slice %arg9[%dma_wait3A_308, %dma_wait3A_309] : memref<128x128xf32, #tpu.memory_space<vmem>> -> memref<16x128xf32, #tpu.memory_space<vmem>>
        %dma_wait3A_311 = arith.constant 9984 : i32
        %dma_wait3A_312 = arith.constant 0 : i32
        %dma_wait3A_313 = tpu.memref_slice %arg6[%dma_wait3A_311, %dma_wait3A_312] : memref<10512x128xf32, #tpu.memory_space<vmem_shared>> -> memref<16x128xf32, #tpu.memory_space<vmem_shared>>
        %dma_wait3A_314 = arith.constant 9984 : i32
        %dma_wait3A_315 = arith.constant 0 : i32
        %dma_wait3A_316 = tpu.memref_slice %arg6[%dma_wait3A_314, %dma_wait3A_315] : memref<10512x128xf32, #tpu.memory_space<vmem_shared>> -> memref<16x128xf32, #tpu.memory_space<vmem_shared>>
        %dma_wait3A_317 = arith.constant 0 : i32
        %dma_wait3A_318 = arith.constant 0 : i32
        %dma_wait3A_319 = tpu.memref_slice %arg9[%dma_wait3A_317, %dma_wait3A_318] : memref<128x128xf32, #tpu.memory_space<vmem>> -> memref<16x128xf32, #tpu.memory_space<vmem>>
        tpu.wait_dma2 semaphore(%run_scoped3A : memref<!tpu.dma_semaphore, #tpu.memory_space<semaphore_mem>>) src(%dma_wait3A_319 : memref<16x128xf32, #tpu.memory_space<vmem>>) dst(%dma_wait3A_316 : memref<16x128xf32, #tpu.memory_space<vmem_shared>>)
        tpu.yield
      }) : () -> ()
    } else {
    }
    %barrier3A = arith.constant 0 : index
    tpu.barrier barrier_id(%barrier3A)
    %mul3A_116 = arith.constant 72 : i32
    %mul3A_117 = arith.muli %add3A, %mul3A_116 : i32
    %mul3A_118 = arith.constant 72 : i32
    %mul3A_119 = arith.muli %add3A, %mul3A_118 : i32
    %dma_wait3A_120 = arith.constant 0 : i32
    %dma_wait3A_121 = arith.constant 0 : i32
    %dma_wait3A_122 = tpu.memref_slice %arg3[%dma_wait3A_120, %mul3A_117, %dma_wait3A_121] : memref<2x2500x128xi32, #tpu.memory_space<hbm>> -> memref<1x40x128xi32, #tpu.memory_space<hbm>>
    %dma_wait3A_123 = tpu.memref_squeeze %dma_wait3A_122 : memref<1x40x128xi32, #tpu.memory_space<hbm>> -> memref<40x128xi32, #tpu.memory_space<hbm>>
    %dma_wait3A_124 = arith.constant 0 : i32
    %dma_wait3A_125 = tpu.memref_slice %arg3[%dma_wait3A_120, %mul3A_117, %dma_wait3A_124] : memref<2x2500x128xi32, #tpu.memory_space<hbm>> -> memref<1x40x128xi32, #tpu.memory_space<hbm>>
    %dma_wait3A_126 = tpu.memref_squeeze %dma_wait3A_125 : memref<1x40x128xi32, #tpu.memory_space<hbm>> -> memref<40x128xi32, #tpu.memory_space<hbm>>
    tpu.wait_dma2 semaphore(%arg11 : memref<!tpu.dma_semaphore, #tpu.memory_space<semaphore_mem>>) src(%dma_wait3A_126 : memref<40x128xi32, #tpu.memory_space<hbm>>) dst(%arg7 : memref<40x128xi32, #tpu.memory_space<vmem>>)
    %dma_wait3A_127 = arith.constant 1 : i32
    %dma_wait3A_128 = arith.constant 0 : i32
    %dma_wait3A_129 = tpu.memref_slice %arg3[%dma_wait3A_127, %mul3A_119, %dma_wait3A_128] : memref<2x2500x128xi32, #tpu.memory_space<hbm>> -> memref<1x40x128xi32, #tpu.memory_space<hbm>>
    %dma_wait3A_130 = tpu.memref_squeeze %dma_wait3A_129 : memref<1x40x128xi32, #tpu.memory_space<hbm>> -> memref<40x128xi32, #tpu.memory_space<hbm>>
    %dma_wait3A_131 = arith.constant 0 : i32
    %dma_wait3A_132 = tpu.memref_slice %arg3[%dma_wait3A_127, %mul3A_119, %dma_wait3A_131] : memref<2x2500x128xi32, #tpu.memory_space<hbm>> -> memref<1x40x128xi32, #tpu.memory_space<hbm>>
    %dma_wait3A_133 = tpu.memref_squeeze %dma_wait3A_132 : memref<1x40x128xi32, #tpu.memory_space<hbm>> -> memref<40x128xi32, #tpu.memory_space<hbm>>
    tpu.wait_dma2 semaphore(%arg12 : memref<!tpu.dma_semaphore, #tpu.memory_space<semaphore_mem>>) src(%dma_wait3A_133 : memref<40x128xi32, #tpu.memory_space<hbm>>) dst(%arg8 : memref<40x128xi32, #tpu.memory_space<vmem>>)
    %dma_start3A_134 = arith.constant 0 : i32
    %dma_start3A_135 = arith.constant 0 : i32
    %dma_start3A_136 = tpu.memref_slice %arg7[%dma_start3A_134, %dma_start3A_135] : memref<40x128xi32, #tpu.memory_space<vmem>> -> memref<1x128xi32, #tpu.memory_space<vmem>>
    %dma_start3A_137 = tpu.memref_squeeze %dma_start3A_136 : memref<1x128xi32, #tpu.memory_space<vmem>> -> memref<128xi32, #tpu.memory_space<vmem>>
    %dma_start3A_138 = arith.constant 0 : i32
    %dma_start3A_139 = arith.constant 0 : i32
    %dma_start3A_140 = tpu.memref_slice %arg2[%dma_start3A_138, %dma_start3A_139] : memref<10000x128xf32, #tpu.memory_space<hbm>> -> memref<10000x128xf32, #tpu.memory_space<hbm>>
    tpu.enqueue_indirect_dma source(%dma_start3A_140 : memref<10000x128xf32, #tpu.memory_space<hbm>>) target(%arg9 : memref<128x128xf32, #tpu.memory_space<vmem>>) offsets(%dma_start3A_137 : memref<128xi32, #tpu.memory_space<vmem>>) semaphore(%arg11 : memref<!tpu.dma_semaphore, #tpu.memory_space<semaphore_mem>>)
    %scan3A_141 = arith.constant 0 : i32
    %scan3A_142 = arith.constant 20 : i32
    %scan3A_143 = arith.addi %scan3A_141, %scan3A_142 : i32
    %scan3A_144 = arith.constant 1 : i32
    scf.for %scan3A_296 = %scan3A_141 to %scan3A_143 step %scan3A_144  : i32 {
      %mul3A_297 = arith.constant 1 : i32
      %mul3A_298 = arith.muli %scan3A_296, %mul3A_297 : i32
      %add3A_299 = arith.constant 0 : i32
      %add3A_300 = arith.addi %add3A_299, %mul3A_298 : i32
      %mul3A_301 = arith.constant 2 : i32
      %mul3A_302 = arith.muli %mul3A_301, %add3A_300 : i32
      %add3A_303 = arith.constant 1 : i32
      %add3A_304 = arith.addi %mul3A_302, %add3A_303 : i32
      %dma_wait3A_305 = arith.constant 0 : i32
      %dma_wait3A_306 = tpu.memref_slice %arg7[%mul3A_302, %dma_wait3A_305] : memref<40x128xi32, #tpu.memory_space<vmem>> -> memref<1x128xi32, #tpu.memory_space<vmem>>
      %dma_wait3A_307 = tpu.memref_squeeze %dma_wait3A_306 : memref<1x128xi32, #tpu.memory_space<vmem>> -> memref<128xi32, #tpu.memory_space<vmem>>
      %dma_wait3A_308 = arith.constant 0 : i32
      %dma_wait3A_309 = arith.constant 0 : i32
      %dma_wait3A_310 = tpu.memref_slice %arg2[%dma_wait3A_308, %dma_wait3A_309] : memref<10000x128xf32, #tpu.memory_space<hbm>> -> memref<10000x128xf32, #tpu.memory_space<hbm>>
      tpu.wait_indirect_dma semaphore(%arg11 : memref<!tpu.dma_semaphore, #tpu.memory_space<semaphore_mem>>) src(%dma_wait3A_310 : memref<10000x128xf32, #tpu.memory_space<hbm>>) dst(%arg9 : memref<128x128xf32, #tpu.memory_space<vmem>>)
      %dma_start3A_311 = arith.constant 0 : i32
      %dma_start3A_312 = tpu.memref_slice %arg7[%add3A_304, %dma_start3A_311] : memref<40x128xi32, #tpu.memory_space<vmem>> -> memref<1x128xi32, #tpu.memory_space<vmem>>
      %dma_start3A_313 = tpu.memref_squeeze %dma_start3A_312 : memref<1x128xi32, #tpu.memory_space<vmem>> -> memref<128xi32, #tpu.memory_space<vmem>>
      %dma_start3A_314 = arith.constant 0 : i32
      %dma_start3A_315 = arith.constant 0 : i32
      %dma_start3A_316 = tpu.memref_slice %arg2[%dma_start3A_314, %dma_start3A_315] : memref<10000x128xf32, #tpu.memory_space<hbm>> -> memref<10000x128xf32, #tpu.memory_space<hbm>>
      tpu.enqueue_indirect_dma source(%dma_start3A_316 : memref<10000x128xf32, #tpu.memory_space<hbm>>) target(%arg10 : memref<128x128xf32, #tpu.memory_space<vmem>>) offsets(%dma_start3A_313 : memref<128xi32, #tpu.memory_space<vmem>>) semaphore(%arg12 : memref<!tpu.dma_semaphore, #tpu.memory_space<semaphore_mem>>)
      %dma_start3A_317 = arith.constant 0 : i32
      %dma_start3A_318 = tpu.memref_slice %arg8[%mul3A_302, %dma_start3A_317] : memref<40x128xi32, #tpu.memory_space<vmem>> -> memref<1x128xi32, #tpu.memory_space<vmem>>
      %dma_start3A_319 = tpu.memref_squeeze %dma_start3A_318 : memref<1x128xi32, #tpu.memory_space<vmem>> -> memref<128xi32, #tpu.memory_space<vmem>>
      %dma_start3A_320 = arith.constant 0 : i32
      %dma_start3A_321 = arith.constant 0 : i32
      %dma_start3A_322 = tpu.memref_slice %arg6[%dma_start3A_320, %dma_start3A_321] : memref<10512x128xf32, #tpu.memory_space<vmem_shared>> -> memref<10512x128xf32, #tpu.memory_space<vmem_shared>>
      tpu.enqueue_indirect_dma source(%arg9 : memref<128x128xf32, #tpu.memory_space<vmem>>) target(%dma_start3A_322 : memref<10512x128xf32, #tpu.memory_space<vmem_shared>>) offsets(%dma_start3A_319 : memref<128xi32, #tpu.memory_space<vmem>>) semaphore(%arg15 : memref<!tpu.dma_semaphore, #tpu.memory_space<semaphore_mem>>) {add = true}
      %dma_wait3A_323 = arith.constant 0 : i32
      %dma_wait3A_324 = tpu.memref_slice %arg7[%add3A_304, %dma_wait3A_323] : memref<40x128xi32, #tpu.memory_space<vmem>> -> memref<1x128xi32, #tpu.memory_space<vmem>>
      %dma_wait3A_325 = tpu.memref_squeeze %dma_wait3A_324 : memref<1x128xi32, #tpu.memory_space<vmem>> -> memref<128xi32, #tpu.memory_space<vmem>>
      %dma_wait3A_326 = arith.constant 0 : i32
      %dma_wait3A_327 = arith.constant 0 : i32
      %dma_wait3A_328 = tpu.memref_slice %arg2[%dma_wait3A_326, %dma_wait3A_327] : memref<10000x128xf32, #tpu.memory_space<hbm>> -> memref<10000x128xf32, #tpu.memory_space<hbm>>
      tpu.wait_indirect_dma semaphore(%arg12 : memref<!tpu.dma_semaphore, #tpu.memory_space<semaphore_mem>>) src(%dma_wait3A_328 : memref<10000x128xf32, #tpu.memory_space<hbm>>) dst(%arg10 : memref<128x128xf32, #tpu.memory_space<vmem>>)
      %dma_start3A_329 = arith.constant 0 : i32
      %dma_start3A_330 = tpu.memref_slice %arg8[%add3A_304, %dma_start3A_329] : memref<40x128xi32, #tpu.memory_space<vmem>> -> memref<1x128xi32, #tpu.memory_space<vmem>>
      %dma_start3A_331 = tpu.memref_squeeze %dma_start3A_330 : memref<1x128xi32, #tpu.memory_space<vmem>> -> memref<128xi32, #tpu.memory_space<vmem>>
      %dma_start3A_332 = arith.constant 0 : i32
      %dma_start3A_333 = arith.constant 0 : i32
      %dma_start3A_334 = tpu.memref_slice %arg6[%dma_start3A_332, %dma_start3A_333] : memref<10512x128xf32, #tpu.memory_space<vmem_shared>> -> memref<10512x128xf32, #tpu.memory_space<vmem_shared>>
      tpu.enqueue_indirect_dma source(%arg10 : memref<128x128xf32, #tpu.memory_space<vmem>>) target(%dma_start3A_334 : memref<10512x128xf32, #tpu.memory_space<vmem_shared>>) offsets(%dma_start3A_331 : memref<128xi32, #tpu.memory_space<vmem>>) semaphore(%arg16 : memref<!tpu.dma_semaphore, #tpu.memory_space<semaphore_mem>>) {add = true}
      %dma_wait3A_335 = arith.constant 0 : i32
      %dma_wait3A_336 = tpu.memref_slice %arg8[%mul3A_302, %dma_wait3A_335] : memref<40x128xi32, #tpu.memory_space<vmem>> -> memref<1x128xi32, #tpu.memory_space<vmem>>
      %dma_wait3A_337 = tpu.memref_squeeze %dma_wait3A_336 : memref<1x128xi32, #tpu.memory_space<vmem>> -> memref<128xi32, #tpu.memory_space<vmem>>
      %dma_wait3A_338 = arith.constant 0 : i32
      %dma_wait3A_339 = arith.constant 0 : i32
      %dma_wait3A_340 = tpu.memref_slice %arg6[%dma_wait3A_338, %dma_wait3A_339] : memref<10512x128xf32, #tpu.memory_space<vmem_shared>> -> memref<10512x128xf32, #tpu.memory_space<vmem_shared>>
      tpu.wait_indirect_dma semaphore(%arg15 : memref<!tpu.dma_semaphore, #tpu.memory_space<semaphore_mem>>) src(%arg9 : memref<128x128xf32, #tpu.memory_space<vmem>>) dst(%dma_wait3A_340 : memref<10512x128xf32, #tpu.memory_space<vmem_shared>>)
      %lt3A = arith.constant 19 : i32
      %lt3A_341 = arith.cmpi slt, %add3A_300, %lt3A : i32
      %convert_element_type3A_342 = arith.extui %lt3A_341 : i1 to i32
      %cond3A_343 = arith.constant 0 : i32
      %cond3A_344 = arith.cmpi ne, %convert_element_type3A_342, %cond3A_343 : i32
      scf.if %cond3A_344 {
        %add3A_351 = arith.constant 2 : i32
        %add3A_352 = arith.addi %mul3A_302, %add3A_351 : i32
        %dma_start3A_353 = arith.constant 0 : i32
        %dma_start3A_354 = tpu.memref_slice %arg7[%add3A_352, %dma_start3A_353] : memref<40x128xi32, #tpu.memory_space<vmem>> -> memref<1x128xi32, #tpu.memory_space<vmem>>
        %dma_start3A_355 = tpu.memref_squeeze %dma_start3A_354 : memref<1x128xi32, #tpu.memory_space<vmem>> -> memref<128xi32, #tpu.memory_space<vmem>>
        %dma_start3A_356 = arith.constant 0 : i32
        %dma_start3A_357 = arith.constant 0 : i32
        %dma_start3A_358 = tpu.memref_slice %arg2[%dma_start3A_356, %dma_start3A_357] : memref<10000x128xf32, #tpu.memory_space<hbm>> -> memref<10000x128xf32, #tpu.memory_space<hbm>>
        tpu.enqueue_indirect_dma source(%dma_start3A_358 : memref<10000x128xf32, #tpu.memory_space<hbm>>) target(%arg9 : memref<128x128xf32, #tpu.memory_space<vmem>>) offsets(%dma_start3A_355 : memref<128xi32, #tpu.memory_space<vmem>>) semaphore(%arg11 : memref<!tpu.dma_semaphore, #tpu.memory_space<semaphore_mem>>)
      } else {
      }
      %dma_wait3A_345 = arith.constant 0 : i32
      %dma_wait3A_346 = tpu.memref_slice %arg8[%add3A_304, %dma_wait3A_345] : memref<40x128xi32, #tpu.memory_space<vmem>> -> memref<1x128xi32, #tpu.memory_space<vmem>>
      %dma_wait3A_347 = tpu.memref_squeeze %dma_wait3A_346 : memref<1x128xi32, #tpu.memory_space<vmem>> -> memref<128xi32, #tpu.memory_space<vmem>>
      %dma_wait3A_348 = arith.constant 0 : i32
      %dma_wait3A_349 = arith.constant 0 : i32
      %dma_wait3A_350 = tpu.memref_slice %arg6[%dma_wait3A_348, %dma_wait3A_349] : memref<10512x128xf32, #tpu.memory_space<vmem_shared>> -> memref<10512x128xf32, #tpu.memory_space<vmem_shared>>
      tpu.wait_indirect_dma semaphore(%arg16 : memref<!tpu.dma_semaphore, #tpu.memory_space<semaphore_mem>>) src(%arg10 : memref<128x128xf32, #tpu.memory_space<vmem>>) dst(%dma_wait3A_350 : memref<10512x128xf32, #tpu.memory_space<vmem_shared>>)
    }
    %scan3A_145 = arith.constant 20 : i32
    %mul3A_146 = arith.constant 72 : i32
    %mul3A_147 = arith.muli %add3A, %mul3A_146 : i32
    %add3A_148 = arith.constant 40 : i32
    %add3A_149 = arith.addi %mul3A_147, %add3A_148 : i32
    %mul3A_150 = arith.constant 72 : i32
    %mul3A_151 = arith.muli %add3A, %mul3A_150 : i32
    %add3A_152 = arith.constant 40 : i32
    %add3A_153 = arith.addi %mul3A_151, %add3A_152 : i32
    %mul3A_154 = arith.constant 8 : i32
    %mul3A_155 = arith.muli %add3A, %mul3A_154 : i32
    %mul3A_156 = arith.constant 8 : i32
    %mul3A_157 = arith.muli %add3A, %mul3A_156 : i32
    %dma_start3A_158 = arith.constant 0 : i32
    %dma_start3A_159 = arith.constant 0 : i32
    %dma_start3A_160 = arith.constant 0 : i32
    %dma_start3A_161 = tpu.memref_slice %arg7[%dma_start3A_159, %dma_start3A_160] : memref<40x128xi32, #tpu.memory_space<vmem>> -> memref<32x128xi32, #tpu.memory_space<vmem>>
    %dma_start3A_162 = arith.constant 0 : i32
    %dma_start3A_163 = tpu.memref_slice %arg3[%dma_start3A_158, %add3A_149, %dma_start3A_162] : memref<2x2500x128xi32, #tpu.memory_space<hbm>> -> memref<1x32x128xi32, #tpu.memory_space<hbm>>
    %dma_start3A_164 = tpu.memref_squeeze %dma_start3A_163 : memref<1x32x128xi32, #tpu.memory_space<hbm>> -> memref<32x128xi32, #tpu.memory_space<hbm>>
    %dma_start3A_165 = arith.constant 0 : i32
    %dma_start3A_166 = arith.constant 0 : i32
    %dma_start3A_167 = tpu.memref_slice %arg7[%dma_start3A_165, %dma_start3A_166] : memref<40x128xi32, #tpu.memory_space<vmem>> -> memref<32x128xi32, #tpu.memory_space<vmem>>
    %dma_start3A_168 = arith.constant 0 : i32
    %dma_start3A_169 = tpu.memref_slice %arg3[%dma_start3A_158, %add3A_149, %dma_start3A_168] : memref<2x2500x128xi32, #tpu.memory_space<hbm>> -> memref<1x32x128xi32, #tpu.memory_space<hbm>>
    %dma_start3A_170 = tpu.memref_squeeze %dma_start3A_169 : memref<1x32x128xi32, #tpu.memory_space<hbm>> -> memref<32x128xi32, #tpu.memory_space<hbm>>
    tpu.enqueue_dma source(%dma_start3A_170 : memref<32x128xi32, #tpu.memory_space<hbm>>) target(%dma_start3A_167 : memref<32x128xi32, #tpu.memory_space<vmem>>) target_semaphore(%arg11 : memref<!tpu.dma_semaphore, #tpu.memory_space<semaphore_mem>>)
    %dma_start3A_171 = arith.constant 1 : i32
    %dma_start3A_172 = arith.constant 0 : i32
    %dma_start3A_173 = arith.constant 0 : i32
    %dma_start3A_174 = tpu.memref_slice %arg8[%dma_start3A_172, %dma_start3A_173] : memref<40x128xi32, #tpu.memory_space<vmem>> -> memref<32x128xi32, #tpu.memory_space<vmem>>
    %dma_start3A_175 = arith.constant 0 : i32
    %dma_start3A_176 = tpu.memref_slice %arg3[%dma_start3A_171, %add3A_153, %dma_start3A_175] : memref<2x2500x128xi32, #tpu.memory_space<hbm>> -> memref<1x32x128xi32, #tpu.memory_space<hbm>>
    %dma_start3A_177 = tpu.memref_squeeze %dma_start3A_176 : memref<1x32x128xi32, #tpu.memory_space<hbm>> -> memref<32x128xi32, #tpu.memory_space<hbm>>
    %dma_start3A_178 = arith.constant 0 : i32
    %dma_start3A_179 = arith.constant 0 : i32
    %dma_start3A_180 = tpu.memref_slice %arg8[%dma_start3A_178, %dma_start3A_179] : memref<40x128xi32, #tpu.memory_space<vmem>> -> memref<32x128xi32, #tpu.memory_space<vmem>>
    %dma_start3A_181 = arith.constant 0 : i32
    %dma_start3A_182 = tpu.memref_slice %arg3[%dma_start3A_171, %add3A_153, %dma_start3A_181] : memref<2x2500x128xi32, #tpu.memory_space<hbm>> -> memref<1x32x128xi32, #tpu.memory_space<hbm>>
    %dma_start3A_183 = tpu.memref_squeeze %dma_start3A_182 : memref<1x32x128xi32, #tpu.memory_space<hbm>> -> memref<32x128xi32, #tpu.memory_space<hbm>>
    tpu.enqueue_dma source(%dma_start3A_183 : memref<32x128xi32, #tpu.memory_space<hbm>>) target(%dma_start3A_180 : memref<32x128xi32, #tpu.memory_space<vmem>>) target_semaphore(%arg12 : memref<!tpu.dma_semaphore, #tpu.memory_space<semaphore_mem>>)
    %dma_start3A_184 = arith.constant 0 : i32
    %dma_start3A_185 = arith.constant 32 : i32
    %dma_start3A_186 = arith.constant 0 : i32
    %dma_start3A_187 = tpu.memref_slice %arg7[%dma_start3A_185, %dma_start3A_186] : memref<40x128xi32, #tpu.memory_space<vmem>> -> memref<8x128xi32, #tpu.memory_space<vmem>>
    %dma_start3A_188 = arith.constant 0 : i32
    %dma_start3A_189 = tpu.memref_slice %arg4[%dma_start3A_184, %mul3A_155, %dma_start3A_188] : memref<2x256x128xi32, #tpu.memory_space<hbm>> -> memref<1x8x128xi32, #tpu.memory_space<hbm>>
    %dma_start3A_190 = tpu.memref_squeeze %dma_start3A_189 : memref<1x8x128xi32, #tpu.memory_space<hbm>> -> memref<8x128xi32, #tpu.memory_space<hbm>>
    %dma_start3A_191 = arith.constant 32 : i32
    %dma_start3A_192 = arith.constant 0 : i32
    %dma_start3A_193 = tpu.memref_slice %arg7[%dma_start3A_191, %dma_start3A_192] : memref<40x128xi32, #tpu.memory_space<vmem>> -> memref<8x128xi32, #tpu.memory_space<vmem>>
    %dma_start3A_194 = arith.constant 0 : i32
    %dma_start3A_195 = tpu.memref_slice %arg4[%dma_start3A_184, %mul3A_155, %dma_start3A_194] : memref<2x256x128xi32, #tpu.memory_space<hbm>> -> memref<1x8x128xi32, #tpu.memory_space<hbm>>
    %dma_start3A_196 = tpu.memref_squeeze %dma_start3A_195 : memref<1x8x128xi32, #tpu.memory_space<hbm>> -> memref<8x128xi32, #tpu.memory_space<hbm>>
    tpu.enqueue_dma source(%dma_start3A_196 : memref<8x128xi32, #tpu.memory_space<hbm>>) target(%dma_start3A_193 : memref<8x128xi32, #tpu.memory_space<vmem>>) target_semaphore(%arg13 : memref<!tpu.dma_semaphore, #tpu.memory_space<semaphore_mem>>)
    %dma_start3A_197 = arith.constant 1 : i32
    %dma_start3A_198 = arith.constant 32 : i32
    %dma_start3A_199 = arith.constant 0 : i32
    %dma_start3A_200 = tpu.memref_slice %arg8[%dma_start3A_198, %dma_start3A_199] : memref<40x128xi32, #tpu.memory_space<vmem>> -> memref<8x128xi32, #tpu.memory_space<vmem>>
    %dma_start3A_201 = arith.constant 0 : i32
    %dma_start3A_202 = tpu.memref_slice %arg4[%dma_start3A_197, %mul3A_157, %dma_start3A_201] : memref<2x256x128xi32, #tpu.memory_space<hbm>> -> memref<1x8x128xi32, #tpu.memory_space<hbm>>
    %dma_start3A_203 = tpu.memref_squeeze %dma_start3A_202 : memref<1x8x128xi32, #tpu.memory_space<hbm>> -> memref<8x128xi32, #tpu.memory_space<hbm>>
    %dma_start3A_204 = arith.constant 32 : i32
    %dma_start3A_205 = arith.constant 0 : i32
    %dma_start3A_206 = tpu.memref_slice %arg8[%dma_start3A_204, %dma_start3A_205] : memref<40x128xi32, #tpu.memory_space<vmem>> -> memref<8x128xi32, #tpu.memory_space<vmem>>
    %dma_start3A_207 = arith.constant 0 : i32
    %dma_start3A_208 = tpu.memref_slice %arg4[%dma_start3A_197, %mul3A_157, %dma_start3A_207] : memref<2x256x128xi32, #tpu.memory_space<hbm>> -> memref<1x8x128xi32, #tpu.memory_space<hbm>>
    %dma_start3A_209 = tpu.memref_squeeze %dma_start3A_208 : memref<1x8x128xi32, #tpu.memory_space<hbm>> -> memref<8x128xi32, #tpu.memory_space<hbm>>
    tpu.enqueue_dma source(%dma_start3A_209 : memref<8x128xi32, #tpu.memory_space<hbm>>) target(%dma_start3A_206 : memref<8x128xi32, #tpu.memory_space<vmem>>) target_semaphore(%arg14 : memref<!tpu.dma_semaphore, #tpu.memory_space<semaphore_mem>>)
    %mul3A_210 = arith.constant 72 : i32
    %mul3A_211 = arith.muli %add3A, %mul3A_210 : i32
    %add3A_212 = arith.constant 40 : i32
    %add3A_213 = arith.addi %mul3A_211, %add3A_212 : i32
    %mul3A_214 = arith.constant 72 : i32
    %mul3A_215 = arith.muli %add3A, %mul3A_214 : i32
    %add3A_216 = arith.constant 40 : i32
    %add3A_217 = arith.addi %mul3A_215, %add3A_216 : i32
    %mul3A_218 = arith.constant 8 : i32
    %mul3A_219 = arith.muli %add3A, %mul3A_218 : i32
    %mul3A_220 = arith.constant 8 : i32
    %mul3A_221 = arith.muli %add3A, %mul3A_220 : i32
    %dma_wait3A_222 = arith.constant 0 : i32
    %dma_wait3A_223 = arith.constant 0 : i32
    %dma_wait3A_224 = arith.constant 0 : i32
    %dma_wait3A_225 = tpu.memref_slice %arg7[%dma_wait3A_223, %dma_wait3A_224] : memref<40x128xi32, #tpu.memory_space<vmem>> -> memref<32x128xi32, #tpu.memory_space<vmem>>
    %dma_wait3A_226 = arith.constant 0 : i32
    %dma_wait3A_227 = tpu.memref_slice %arg3[%dma_wait3A_222, %add3A_213, %dma_wait3A_226] : memref<2x2500x128xi32, #tpu.memory_space<hbm>> -> memref<1x32x128xi32, #tpu.memory_space<hbm>>
    %dma_wait3A_228 = tpu.memref_squeeze %dma_wait3A_227 : memref<1x32x128xi32, #tpu.memory_space<hbm>> -> memref<32x128xi32, #tpu.memory_space<hbm>>
    %dma_wait3A_229 = arith.constant 0 : i32
    %dma_wait3A_230 = arith.constant 0 : i32
    %dma_wait3A_231 = tpu.memref_slice %arg7[%dma_wait3A_229, %dma_wait3A_230] : memref<40x128xi32, #tpu.memory_space<vmem>> -> memref<32x128xi32, #tpu.memory_space<vmem>>
    %dma_wait3A_232 = arith.constant 0 : i32
    %dma_wait3A_233 = tpu.memref_slice %arg3[%dma_wait3A_222, %add3A_213, %dma_wait3A_232] : memref<2x2500x128xi32, #tpu.memory_space<hbm>> -> memref<1x32x128xi32, #tpu.memory_space<hbm>>
    %dma_wait3A_234 = tpu.memref_squeeze %dma_wait3A_233 : memref<1x32x128xi32, #tpu.memory_space<hbm>> -> memref<32x128xi32, #tpu.memory_space<hbm>>
    tpu.wait_dma2 semaphore(%arg11 : memref<!tpu.dma_semaphore, #tpu.memory_space<semaphore_mem>>) src(%dma_wait3A_234 : memref<32x128xi32, #tpu.memory_space<hbm>>) dst(%dma_wait3A_231 : memref<32x128xi32, #tpu.memory_space<vmem>>)
    %dma_wait3A_235 = arith.constant 1 : i32
    %dma_wait3A_236 = arith.constant 0 : i32
    %dma_wait3A_237 = arith.constant 0 : i32
    %dma_wait3A_238 = tpu.memref_slice %arg8[%dma_wait3A_236, %dma_wait3A_237] : memref<40x128xi32, #tpu.memory_space<vmem>> -> memref<32x128xi32, #tpu.memory_space<vmem>>
    %dma_wait3A_239 = arith.constant 0 : i32
    %dma_wait3A_240 = tpu.memref_slice %arg3[%dma_wait3A_235, %add3A_217, %dma_wait3A_239] : memref<2x2500x128xi32, #tpu.memory_space<hbm>> -> memref<1x32x128xi32, #tpu.memory_space<hbm>>
    %dma_wait3A_241 = tpu.memref_squeeze %dma_wait3A_240 : memref<1x32x128xi32, #tpu.memory_space<hbm>> -> memref<32x128xi32, #tpu.memory_space<hbm>>
    %dma_wait3A_242 = arith.constant 0 : i32
    %dma_wait3A_243 = arith.constant 0 : i32
    %dma_wait3A_244 = tpu.memref_slice %arg8[%dma_wait3A_242, %dma_wait3A_243] : memref<40x128xi32, #tpu.memory_space<vmem>> -> memref<32x128xi32, #tpu.memory_space<vmem>>
    %dma_wait3A_245 = arith.constant 0 : i32
    %dma_wait3A_246 = tpu.memref_slice %arg3[%dma_wait3A_235, %add3A_217, %dma_wait3A_245] : memref<2x2500x128xi32, #tpu.memory_space<hbm>> -> memref<1x32x128xi32, #tpu.memory_space<hbm>>
    %dma_wait3A_247 = tpu.memref_squeeze %dma_wait3A_246 : memref<1x32x128xi32, #tpu.memory_space<hbm>> -> memref<32x128xi32, #tpu.memory_space<hbm>>
    tpu.wait_dma2 semaphore(%arg12 : memref<!tpu.dma_semaphore, #tpu.memory_space<semaphore_mem>>) src(%dma_wait3A_247 : memref<32x128xi32, #tpu.memory_space<hbm>>) dst(%dma_wait3A_244 : memref<32x128xi32, #tpu.memory_space<vmem>>)
    %dma_wait3A_248 = arith.constant 0 : i32
    %dma_wait3A_249 = arith.constant 32 : i32
    %dma_wait3A_250 = arith.constant 0 : i32
    %dma_wait3A_251 = tpu.memref_slice %arg7[%dma_wait3A_249, %dma_wait3A_250] : memref<40x128xi32, #tpu.memory_space<vmem>> -> memref<8x128xi32, #tpu.memory_space<vmem>>
    %dma_wait3A_252 = arith.constant 0 : i32
    %dma_wait3A_253 = tpu.memref_slice %arg4[%dma_wait3A_248, %mul3A_219, %dma_wait3A_252] : memref<2x256x128xi32, #tpu.memory_space<hbm>> -> memref<1x8x128xi32, #tpu.memory_space<hbm>>
    %dma_wait3A_254 = tpu.memref_squeeze %dma_wait3A_253 : memref<1x8x128xi32, #tpu.memory_space<hbm>> -> memref<8x128xi32, #tpu.memory_space<hbm>>
    %dma_wait3A_255 = arith.constant 32 : i32
    %dma_wait3A_256 = arith.constant 0 : i32
    %dma_wait3A_257 = tpu.memref_slice %arg7[%dma_wait3A_255, %dma_wait3A_256] : memref<40x128xi32, #tpu.memory_space<vmem>> -> memref<8x128xi32, #tpu.memory_space<vmem>>
    %dma_wait3A_258 = arith.constant 0 : i32
    %dma_wait3A_259 = tpu.memref_slice %arg4[%dma_wait3A_248, %mul3A_219, %dma_wait3A_258] : memref<2x256x128xi32, #tpu.memory_space<hbm>> -> memref<1x8x128xi32, #tpu.memory_space<hbm>>
    %dma_wait3A_260 = tpu.memref_squeeze %dma_wait3A_259 : memref<1x8x128xi32, #tpu.memory_space<hbm>> -> memref<8x128xi32, #tpu.memory_space<hbm>>
    tpu.wait_dma2 semaphore(%arg13 : memref<!tpu.dma_semaphore, #tpu.memory_space<semaphore_mem>>) src(%dma_wait3A_260 : memref<8x128xi32, #tpu.memory_space<hbm>>) dst(%dma_wait3A_257 : memref<8x128xi32, #tpu.memory_space<vmem>>)
    %dma_wait3A_261 = arith.constant 1 : i32
    %dma_wait3A_262 = arith.constant 32 : i32
    %dma_wait3A_263 = arith.constant 0 : i32
    %dma_wait3A_264 = tpu.memref_slice %arg8[%dma_wait3A_262, %dma_wait3A_263] : memref<40x128xi32, #tpu.memory_space<vmem>> -> memref<8x128xi32, #tpu.memory_space<vmem>>
    %dma_wait3A_265 = arith.constant 0 : i32
    %dma_wait3A_266 = tpu.memref_slice %arg4[%dma_wait3A_261, %mul3A_221, %dma_wait3A_265] : memref<2x256x128xi32, #tpu.memory_space<hbm>> -> memref<1x8x128xi32, #tpu.memory_space<hbm>>
    %dma_wait3A_267 = tpu.memref_squeeze %dma_wait3A_266 : memref<1x8x128xi32, #tpu.memory_space<hbm>> -> memref<8x128xi32, #tpu.memory_space<hbm>>
    %dma_wait3A_268 = arith.constant 32 : i32
    %dma_wait3A_269 = arith.constant 0 : i32
    %dma_wait3A_270 = tpu.memref_slice %arg8[%dma_wait3A_268, %dma_wait3A_269] : memref<40x128xi32, #tpu.memory_space<vmem>> -> memref<8x128xi32, #tpu.memory_space<vmem>>
    %dma_wait3A_271 = arith.constant 0 : i32
    %dma_wait3A_272 = tpu.memref_slice %arg4[%dma_wait3A_261, %mul3A_221, %dma_wait3A_271] : memref<2x256x128xi32, #tpu.memory_space<hbm>> -> memref<1x8x128xi32, #tpu.memory_space<hbm>>
    %dma_wait3A_273 = tpu.memref_squeeze %dma_wait3A_272 : memref<1x8x128xi32, #tpu.memory_space<hbm>> -> memref<8x128xi32, #tpu.memory_space<hbm>>
    tpu.wait_dma2 semaphore(%arg14 : memref<!tpu.dma_semaphore, #tpu.memory_space<semaphore_mem>>) src(%dma_wait3A_273 : memref<8x128xi32, #tpu.memory_space<hbm>>) dst(%dma_wait3A_270 : memref<8x128xi32, #tpu.memory_space<vmem>>)
    %dma_start3A_274 = arith.constant 0 : i32
    %dma_start3A_275 = arith.constant 0 : i32
    %dma_start3A_276 = tpu.memref_slice %arg7[%dma_start3A_274, %dma_start3A_275] : memref<40x128xi32, #tpu.memory_space<vmem>> -> memref<1x128xi32, #tpu.memory_space<vmem>>
    %dma_start3A_277 = tpu.memref_squeeze %dma_start3A_276 : memref<1x128xi32, #tpu.memory_space<vmem>> -> memref<128xi32, #tpu.memory_space<vmem>>
    %dma_start3A_278 = arith.constant 0 : i32
    %dma_start3A_279 = arith.constant 0 : i32
    %dma_start3A_280 = tpu.memref_slice %arg2[%dma_start3A_278, %dma_start3A_279] : memref<10000x128xf32, #tpu.memory_space<hbm>> -> memref<10000x128xf32, #tpu.memory_space<hbm>>
    tpu.enqueue_indirect_dma source(%dma_start3A_280 : memref<10000x128xf32, #tpu.memory_space<hbm>>) target(%arg9 : memref<128x128xf32, #tpu.memory_space<vmem>>) offsets(%dma_start3A_277 : memref<128xi32, #tpu.memory_space<vmem>>) semaphore(%arg11 : memref<!tpu.dma_semaphore, #tpu.memory_space<semaphore_mem>>)
    %scan3A_281 = arith.constant 0 : i32
    %scan3A_282 = arith.constant 20 : i32
    %scan3A_283 = arith.addi %scan3A_281, %scan3A_282 : i32
    %scan3A_284 = arith.constant 1 : i32
    scf.for %scan3A_296 = %scan3A_281 to %scan3A_283 step %scan3A_284  : i32 {
      %mul3A_297 = arith.constant 1 : i32
      %mul3A_298 = arith.muli %scan3A_296, %mul3A_297 : i32
      %add3A_299 = arith.constant 0 : i32
      %add3A_300 = arith.addi %add3A_299, %mul3A_298 : i32
      %mul3A_301 = arith.constant 2 : i32
      %mul3A_302 = arith.muli %mul3A_301, %add3A_300 : i32
      %add3A_303 = arith.constant 1 : i32
      %add3A_304 = arith.addi %mul3A_302, %add3A_303 : i32
      %dma_wait3A_305 = arith.constant 0 : i32
      %dma_wait3A_306 = tpu.memref_slice %arg7[%mul3A_302, %dma_wait3A_305] : memref<40x128xi32, #tpu.memory_space<vmem>> -> memref<1x128xi32, #tpu.memory_space<vmem>>
      %dma_wait3A_307 = tpu.memref_squeeze %dma_wait3A_306 : memref<1x128xi32, #tpu.memory_space<vmem>> -> memref<128xi32, #tpu.memory_space<vmem>>
      %dma_wait3A_308 = arith.constant 0 : i32
      %dma_wait3A_309 = arith.constant 0 : i32
      %dma_wait3A_310 = tpu.memref_slice %arg2[%dma_wait3A_308, %dma_wait3A_309] : memref<10000x128xf32, #tpu.memory_space<hbm>> -> memref<10000x128xf32, #tpu.memory_space<hbm>>
      tpu.wait_indirect_dma semaphore(%arg11 : memref<!tpu.dma_semaphore, #tpu.memory_space<semaphore_mem>>) src(%dma_wait3A_310 : memref<10000x128xf32, #tpu.memory_space<hbm>>) dst(%arg9 : memref<128x128xf32, #tpu.memory_space<vmem>>)
      %dma_start3A_311 = arith.constant 0 : i32
      %dma_start3A_312 = tpu.memref_slice %arg7[%add3A_304, %dma_start3A_311] : memref<40x128xi32, #tpu.memory_space<vmem>> -> memref<1x128xi32, #tpu.memory_space<vmem>>
      %dma_start3A_313 = tpu.memref_squeeze %dma_start3A_312 : memref<1x128xi32, #tpu.memory_space<vmem>> -> memref<128xi32, #tpu.memory_space<vmem>>
      %dma_start3A_314 = arith.constant 0 : i32
      %dma_start3A_315 = arith.constant 0 : i32
      %dma_start3A_316 = tpu.memref_slice %arg2[%dma_start3A_314, %dma_start3A_315] : memref<10000x128xf32, #tpu.memory_space<hbm>> -> memref<10000x128xf32, #tpu.memory_space<hbm>>
      tpu.enqueue_indirect_dma source(%dma_start3A_316 : memref<10000x128xf32, #tpu.memory_space<hbm>>) target(%arg10 : memref<128x128xf32, #tpu.memory_space<vmem>>) offsets(%dma_start3A_313 : memref<128xi32, #tpu.memory_space<vmem>>) semaphore(%arg12 : memref<!tpu.dma_semaphore, #tpu.memory_space<semaphore_mem>>)
      %dma_start3A_317 = arith.constant 0 : i32
      %dma_start3A_318 = tpu.memref_slice %arg8[%mul3A_302, %dma_start3A_317] : memref<40x128xi32, #tpu.memory_space<vmem>> -> memref<1x128xi32, #tpu.memory_space<vmem>>
      %dma_start3A_319 = tpu.memref_squeeze %dma_start3A_318 : memref<1x128xi32, #tpu.memory_space<vmem>> -> memref<128xi32, #tpu.memory_space<vmem>>
      %dma_start3A_320 = arith.constant 0 : i32
      %dma_start3A_321 = arith.constant 0 : i32
      %dma_start3A_322 = tpu.memref_slice %arg6[%dma_start3A_320, %dma_start3A_321] : memref<10512x128xf32, #tpu.memory_space<vmem_shared>> -> memref<10512x128xf32, #tpu.memory_space<vmem_shared>>
      tpu.enqueue_indirect_dma source(%arg9 : memref<128x128xf32, #tpu.memory_space<vmem>>) target(%dma_start3A_322 : memref<10512x128xf32, #tpu.memory_space<vmem_shared>>) offsets(%dma_start3A_319 : memref<128xi32, #tpu.memory_space<vmem>>) semaphore(%arg15 : memref<!tpu.dma_semaphore, #tpu.memory_space<semaphore_mem>>) {add = true}
      %dma_wait3A_323 = arith.constant 0 : i32
      %dma_wait3A_324 = tpu.memref_slice %arg7[%add3A_304, %dma_wait3A_323] : memref<40x128xi32, #tpu.memory_space<vmem>> -> memref<1x128xi32, #tpu.memory_space<vmem>>
      %dma_wait3A_325 = tpu.memref_squeeze %dma_wait3A_324 : memref<1x128xi32, #tpu.memory_space<vmem>> -> memref<128xi32, #tpu.memory_space<vmem>>
      %dma_wait3A_326 = arith.constant 0 : i32
      %dma_wait3A_327 = arith.constant 0 : i32
      %dma_wait3A_328 = tpu.memref_slice %arg2[%dma_wait3A_326, %dma_wait3A_327] : memref<10000x128xf32, #tpu.memory_space<hbm>> -> memref<10000x128xf32, #tpu.memory_space<hbm>>
      tpu.wait_indirect_dma semaphore(%arg12 : memref<!tpu.dma_semaphore, #tpu.memory_space<semaphore_mem>>) src(%dma_wait3A_328 : memref<10000x128xf32, #tpu.memory_space<hbm>>) dst(%arg10 : memref<128x128xf32, #tpu.memory_space<vmem>>)
      %dma_start3A_329 = arith.constant 0 : i32
      %dma_start3A_330 = tpu.memref_slice %arg8[%add3A_304, %dma_start3A_329] : memref<40x128xi32, #tpu.memory_space<vmem>> -> memref<1x128xi32, #tpu.memory_space<vmem>>
      %dma_start3A_331 = tpu.memref_squeeze %dma_start3A_330 : memref<1x128xi32, #tpu.memory_space<vmem>> -> memref<128xi32, #tpu.memory_space<vmem>>
      %dma_start3A_332 = arith.constant 0 : i32
      %dma_start3A_333 = arith.constant 0 : i32
      %dma_start3A_334 = tpu.memref_slice %arg6[%dma_start3A_332, %dma_start3A_333] : memref<10512x128xf32, #tpu.memory_space<vmem_shared>> -> memref<10512x128xf32, #tpu.memory_space<vmem_shared>>
      tpu.enqueue_indirect_dma source(%arg10 : memref<128x128xf32, #tpu.memory_space<vmem>>) target(%dma_start3A_334 : memref<10512x128xf32, #tpu.memory_space<vmem_shared>>) offsets(%dma_start3A_331 : memref<128xi32, #tpu.memory_space<vmem>>) semaphore(%arg16 : memref<!tpu.dma_semaphore, #tpu.memory_space<semaphore_mem>>) {add = true}
      %dma_wait3A_335 = arith.constant 0 : i32
      %dma_wait3A_336 = tpu.memref_slice %arg8[%mul3A_302, %dma_wait3A_335] : memref<40x128xi32, #tpu.memory_space<vmem>> -> memref<1x128xi32, #tpu.memory_space<vmem>>
      %dma_wait3A_337 = tpu.memref_squeeze %dma_wait3A_336 : memref<1x128xi32, #tpu.memory_space<vmem>> -> memref<128xi32, #tpu.memory_space<vmem>>
      %dma_wait3A_338 = arith.constant 0 : i32
      %dma_wait3A_339 = arith.constant 0 : i32
      %dma_wait3A_340 = tpu.memref_slice %arg6[%dma_wait3A_338, %dma_wait3A_339] : memref<10512x128xf32, #tpu.memory_space<vmem_shared>> -> memref<10512x128xf32, #tpu.memory_space<vmem_shared>>
      tpu.wait_indirect_dma semaphore(%arg15 : memref<!tpu.dma_semaphore, #tpu.memory_space<semaphore_mem>>) src(%arg9 : memref<128x128xf32, #tpu.memory_space<vmem>>) dst(%dma_wait3A_340 : memref<10512x128xf32, #tpu.memory_space<vmem_shared>>)
      %lt3A = arith.constant 19 : i32
      %lt3A_341 = arith.cmpi slt, %add3A_300, %lt3A : i32
      %convert_element_type3A_342 = arith.extui %lt3A_341 : i1 to i32
      %cond3A_343 = arith.constant 0 : i32
      %cond3A_344 = arith.cmpi ne, %convert_element_type3A_342, %cond3A_343 : i32
      scf.if %cond3A_344 {
        %add3A_351 = arith.constant 2 : i32
        %add3A_352 = arith.addi %mul3A_302, %add3A_351 : i32
        %dma_start3A_353 = arith.constant 0 : i32
        %dma_start3A_354 = tpu.memref_slice %arg7[%add3A_352, %dma_start3A_353] : memref<40x128xi32, #tpu.memory_space<vmem>> -> memref<1x128xi32, #tpu.memory_space<vmem>>
        %dma_start3A_355 = tpu.memref_squeeze %dma_start3A_354 : memref<1x128xi32, #tpu.memory_space<vmem>> -> memref<128xi32, #tpu.memory_space<vmem>>
        %dma_start3A_356 = arith.constant 0 : i32
        %dma_start3A_357 = arith.constant 0 : i32
        %dma_start3A_358 = tpu.memref_slice %arg2[%dma_start3A_356, %dma_start3A_357] : memref<10000x128xf32, #tpu.memory_space<hbm>> -> memref<10000x128xf32, #tpu.memory_space<hbm>>
        tpu.enqueue_indirect_dma source(%dma_start3A_358 : memref<10000x128xf32, #tpu.memory_space<hbm>>) target(%arg9 : memref<128x128xf32, #tpu.memory_space<vmem>>) offsets(%dma_start3A_355 : memref<128xi32, #tpu.memory_space<vmem>>) semaphore(%arg11 : memref<!tpu.dma_semaphore, #tpu.memory_space<semaphore_mem>>)
      } else {
      }
      %dma_wait3A_345 = arith.constant 0 : i32
      %dma_wait3A_346 = tpu.memref_slice %arg8[%add3A_304, %dma_wait3A_345] : memref<40x128xi32, #tpu.memory_space<vmem>> -> memref<1x128xi32, #tpu.memory_space<vmem>>
      %dma_wait3A_347 = tpu.memref_squeeze %dma_wait3A_346 : memref<1x128xi32, #tpu.memory_space<vmem>> -> memref<128xi32, #tpu.memory_space<vmem>>
      %dma_wait3A_348 = arith.constant 0 : i32
      %dma_wait3A_349 = arith.constant 0 : i32
      %dma_wait3A_350 = tpu.memref_slice %arg6[%dma_wait3A_348, %dma_wait3A_349] : memref<10512x128xf32, #tpu.memory_space<vmem_shared>> -> memref<10512x128xf32, #tpu.memory_space<vmem_shared>>
      tpu.wait_indirect_dma semaphore(%arg16 : memref<!tpu.dma_semaphore, #tpu.memory_space<semaphore_mem>>) src(%arg10 : memref<128x128xf32, #tpu.memory_space<vmem>>) dst(%dma_wait3A_350 : memref<10512x128xf32, #tpu.memory_space<vmem_shared>>)
    }
    %scan3A_285 = arith.constant 20 : i32
    %barrier3A_286 = arith.constant 0 : index
    tpu.barrier barrier_id(%barrier3A_286)
    %mul3A_287 = arith.constant 624 : i32
    %mul3A_288 = arith.muli %arg1, %mul3A_287 : i32
    %mul3A_289 = arith.constant 624 : i32
    %mul3A_290 = arith.muli %arg1, %mul3A_289 : i32
    "tpu.region"() ({
      %run_scoped3A = tpu.sem_alloc : memref<!tpu.dma_semaphore, #tpu.memory_space<semaphore_mem>>
      %dma_start3A_296 = arith.constant 0 : i32
      %dma_start3A_297 = tpu.memref_slice %arg5[%arg0, %mul3A_290, %dma_start3A_296] : memref<2x10000x128xf32, #tpu.memory_space<hbm>> -> memref<1x624x128xf32, #tpu.memory_space<hbm>>
      %dma_start3A_298 = tpu.memref_squeeze %dma_start3A_297 : memref<1x624x128xf32, #tpu.memory_space<hbm>> -> memref<624x128xf32, #tpu.memory_space<hbm>>
      %dma_start3A_299 = arith.constant 0 : i32
      %dma_start3A_300 = tpu.memref_slice %arg6[%mul3A_288, %dma_start3A_299] : memref<10512x128xf32, #tpu.memory_space<vmem_shared>> -> memref<624x128xf32, #tpu.memory_space<vmem_shared>>
      tpu.enqueue_dma source(%dma_start3A_300 : memref<624x128xf32, #tpu.memory_space<vmem_shared>>) target(%dma_start3A_298 : memref<624x128xf32, #tpu.memory_space<hbm>>) target_semaphore(%run_scoped3A : memref<!tpu.dma_semaphore, #tpu.memory_space<semaphore_mem>>)
      %dma_wait3A_301 = arith.constant 0 : i32
      %dma_wait3A_302 = tpu.memref_slice %arg5[%arg0, %mul3A_290, %dma_wait3A_301] : memref<2x10000x128xf32, #tpu.memory_space<hbm>> -> memref<1x624x128xf32, #tpu.memory_space<hbm>>
      %dma_wait3A_303 = tpu.memref_squeeze %dma_wait3A_302 : memref<1x624x128xf32, #tpu.memory_space<hbm>> -> memref<624x128xf32, #tpu.memory_space<hbm>>
      %dma_wait3A_304 = arith.constant 0 : i32
      %dma_wait3A_305 = tpu.memref_slice %arg6[%mul3A_288, %dma_wait3A_304] : memref<10512x128xf32, #tpu.memory_space<vmem_shared>> -> memref<624x128xf32, #tpu.memory_space<vmem_shared>>
      tpu.wait_dma2 semaphore(%run_scoped3A : memref<!tpu.dma_semaphore, #tpu.memory_space<semaphore_mem>>) src(%dma_wait3A_305 : memref<624x128xf32, #tpu.memory_space<vmem_shared>>) dst(%dma_wait3A_303 : memref<624x128xf32, #tpu.memory_space<hbm>>)
      tpu.yield
    }) : () -> ()
    %eq3A_291 = arith.constant 0 : i32
    %eq3A_292 = arith.cmpi eq, %arg1, %eq3A_291 : i32
    %convert_element_type3A_293 = arith.extui %eq3A_292 : i1 to i32
    %cond3A_294 = arith.constant 0 : i32
    %cond3A_295 = arith.cmpi ne, %convert_element_type3A_293, %cond3A_294 : i32
    scf.if %cond3A_295 {
      "tpu.region"() ({
        %run_scoped3A = tpu.sem_alloc : memref<!tpu.dma_semaphore, #tpu.memory_space<semaphore_mem>>
        %dma_start3A_296 = arith.constant 9984 : i32
        %dma_start3A_297 = arith.constant 0 : i32
        %dma_start3A_298 = tpu.memref_slice %arg5[%arg0, %dma_start3A_296, %dma_start3A_297] : memref<2x10000x128xf32, #tpu.memory_space<hbm>> -> memref<1x16x128xf32, #tpu.memory_space<hbm>>
        %dma_start3A_299 = tpu.memref_squeeze %dma_start3A_298 : memref<1x16x128xf32, #tpu.memory_space<hbm>> -> memref<16x128xf32, #tpu.memory_space<hbm>>
        %dma_start3A_300 = arith.constant 9984 : i32
        %dma_start3A_301 = arith.constant 0 : i32
        %dma_start3A_302 = tpu.memref_slice %arg6[%dma_start3A_300, %dma_start3A_301] : memref<10512x128xf32, #tpu.memory_space<vmem_shared>> -> memref<16x128xf32, #tpu.memory_space<vmem_shared>>
        tpu.enqueue_dma source(%dma_start3A_302 : memref<16x128xf32, #tpu.memory_space<vmem_shared>>) target(%dma_start3A_299 : memref<16x128xf32, #tpu.memory_space<hbm>>) target_semaphore(%run_scoped3A : memref<!tpu.dma_semaphore, #tpu.memory_space<semaphore_mem>>)
        %dma_wait3A_303 = arith.constant 9984 : i32
        %dma_wait3A_304 = arith.constant 0 : i32
        %dma_wait3A_305 = tpu.memref_slice %arg5[%arg0, %dma_wait3A_303, %dma_wait3A_304] : memref<2x10000x128xf32, #tpu.memory_space<hbm>> -> memref<1x16x128xf32, #tpu.memory_space<hbm>>
        %dma_wait3A_306 = tpu.memref_squeeze %dma_wait3A_305 : memref<1x16x128xf32, #tpu.memory_space<hbm>> -> memref<16x128xf32, #tpu.memory_space<hbm>>
        %dma_wait3A_307 = arith.constant 9984 : i32
        %dma_wait3A_308 = arith.constant 0 : i32
        %dma_wait3A_309 = tpu.memref_slice %arg6[%dma_wait3A_307, %dma_wait3A_308] : memref<10512x128xf32, #tpu.memory_space<vmem_shared>> -> memref<16x128xf32, #tpu.memory_space<vmem_shared>>
        tpu.wait_dma2 semaphore(%run_scoped3A : memref<!tpu.dma_semaphore, #tpu.memory_space<semaphore_mem>>) src(%dma_wait3A_309 : memref<16x128xf32, #tpu.memory_space<vmem_shared>>) dst(%dma_wait3A_306 : memref<16x128xf32, #tpu.memory_space<hbm>>)
        tpu.yield
      }) : () -> ()
    } else {
    }
    return
  }
}

module attributes {stable_mosaic.version = 14 : i64} {
  func.func @_tc_mlp_body(%arg0: i32, %arg1: memref<1x1xf32, #tpu.memory_space<smem>>, %arg2: memref<2000x128xf32, #tpu.memory_space<vmem>>, %arg3: memref<2000x128xf32, #tpu.memory_space<vmem>>, %arg4: memref<2000x128xf32, #tpu.memory_space<vmem>>, %arg5: memref<128x128xf32, #tpu.memory_space<vmem>>, %arg6: memref<1x128xf32, #tpu.memory_space<vmem>>, %arg7: memref<128x128xf32, #tpu.memory_space<vmem>>, %arg8: memref<1x128xf32, #tpu.memory_space<vmem>>, %arg9: memref<2000x128xf32, #tpu.memory_space<vmem>>) attributes {dimension_semantics = [#tpu.dimension_semantics<arbitrary>], iteration_bounds = array<i64: 5>, scalar_prefetch = 0 : i64, scratch_operands = 0 : i64, tpu.core_type = #tpu.core_type<tc>, window_params = [{transform_indices = @transform_0, window_bounds = array<i64: 1, 1>}, {transform_indices = @transform_1, window_bounds = array<i64: 2000, 128>}, {transform_indices = @transform_2, window_bounds = array<i64: 2000, 128>}, {transform_indices = @transform_3, window_bounds = array<i64: 2000, 128>}, {pipeline_mode = #tpu.pipeline_mode<synchronous>, transform_indices = @transform_4, window_bounds = array<i64: 128, 128>}, {pipeline_mode = #tpu.pipeline_mode<synchronous>, transform_indices = @transform_5, window_bounds = array<i64: 1, 128>}, {pipeline_mode = #tpu.pipeline_mode<synchronous>, transform_indices = @transform_6, window_bounds = array<i64: 128, 128>}, {pipeline_mode = #tpu.pipeline_mode<synchronous>, transform_indices = @transform_7, window_bounds = array<i64: 1, 128>}, {transform_indices = @transform_8, window_bounds = array<i64: 2000, 128>}]} {
    %get3A = arith.constant 0 : index
    %get3A_0 = arith.constant 0 : index
    %get3A_1 = memref.load %arg1[%get3A, %get3A_0] : memref<1x1xf32, #tpu.memory_space<smem>>
    %add3A = arith.constant 1.000000e+00 : f32
    %add3A_2 = arith.addf %add3A, %get3A_1 : f32
    %get3A_3 = arith.constant 0 : index
    %get3A_4 = arith.constant 0 : index
    %get3A_5 = vector.load %arg2[%get3A_3, %get3A_4] : memref<2000x128xf32, #tpu.memory_space<vmem>>, vector<2000x128xf32>
    %mul3A = vector.broadcast %add3A_2 : f32 to vector<2000x128xf32>
    %mul3A_6 = arith.mulf %mul3A, %get3A_5 : vector<2000x128xf32>
    %get3A_7 = arith.constant 0 : index
    %get3A_8 = arith.constant 0 : index
    %get3A_9 = vector.load %arg3[%get3A_7, %get3A_8] : memref<2000x128xf32, #tpu.memory_space<vmem>>, vector<2000x128xf32>
    %add3A_10 = arith.addf %mul3A_6, %get3A_9 : vector<2000x128xf32>
    %get3A_11 = arith.constant 0 : index
    %get3A_12 = arith.constant 0 : index
    %get3A_13 = vector.load %arg4[%get3A_11, %get3A_12] : memref<2000x128xf32, #tpu.memory_space<vmem>>, vector<2000x128xf32>
    %add3A_14 = arith.addf %add3A_10, %get3A_13 : vector<2000x128xf32>
    %get3A_15 = arith.constant 0 : index
    %get3A_16 = arith.constant 0 : index
    %get3A_17 = vector.load %arg5[%get3A_15, %get3A_16] : memref<128x128xf32, #tpu.memory_space<vmem>>, vector<128x128xf32>
    %dot_general3A = arith.constant dense<0.000000e+00> : vector<2000x128xf32>
    %dot_general3A_18 = tpu.matmul %add3A_14, %get3A_17, %dot_general3A {dimension_numbers = #tpu.dot_dimension_numbers<[1], [0], [0], [1], [0, 0, 1, 1], [], []>, transpose_lhs_hint = false} : vector<2000x128xf32>, vector<128x128xf32>, vector<2000x128xf32> -> vector<2000x128xf32>
    %get3A_19 = arith.constant 0 : index
    %get3A_20 = arith.constant 0 : index
    %get3A_21 = vector.load %arg6[%get3A_19, %get3A_20] : memref<1x128xf32, #tpu.memory_space<vmem>>, vector<1x128xf32>
    %add3A_22 = vector.broadcast %get3A_21 : vector<1x128xf32> to vector<2000x128xf32>
    %add3A_23 = arith.addf %dot_general3A_18, %add3A_22 : vector<2000x128xf32>
    %max3A = arith.constant 0.000000e+00 : f32
    %max3A_24 = vector.broadcast %max3A : f32 to vector<2000x128xf32>
    %max3A_25 = arith.maximumf %add3A_23, %max3A_24 : vector<2000x128xf32>
    %get3A_26 = arith.constant 0 : index
    %get3A_27 = arith.constant 0 : index
    %get3A_28 = vector.load %arg7[%get3A_26, %get3A_27] : memref<128x128xf32, #tpu.memory_space<vmem>>, vector<128x128xf32>
    %dot_general3A_29 = arith.constant dense<0.000000e+00> : vector<2000x128xf32>
    %dot_general3A_30 = tpu.matmul %max3A_25, %get3A_28, %dot_general3A_29 {dimension_numbers = #tpu.dot_dimension_numbers<[1], [0], [0], [1], [0, 0, 1, 1], [], []>, transpose_lhs_hint = false} : vector<2000x128xf32>, vector<128x128xf32>, vector<2000x128xf32> -> vector<2000x128xf32>
    %get3A_31 = arith.constant 0 : index
    %get3A_32 = arith.constant 0 : index
    %get3A_33 = vector.load %arg8[%get3A_31, %get3A_32] : memref<1x128xf32, #tpu.memory_space<vmem>>, vector<1x128xf32>
    %add3A_34 = vector.broadcast %get3A_33 : vector<1x128xf32> to vector<2000x128xf32>
    %add3A_35 = arith.addf %dot_general3A_30, %add3A_34 : vector<2000x128xf32>
    %max3A_36 = arith.constant 0.000000e+00 : f32
    %max3A_37 = vector.broadcast %max3A_36 : f32 to vector<2000x128xf32>
    %max3A_38 = arith.maximumf %add3A_35, %max3A_37 : vector<2000x128xf32>
    %swap3A = arith.constant 0 : index
    %swap3A_39 = arith.constant 0 : index
    %swap3A_40 = vector.load %arg9[%swap3A, %swap3A_39] : memref<2000x128xf32, #tpu.memory_space<vmem>>, vector<2000x128xf32>
    tpu.vector_store %arg9[%swap3A, %swap3A_39], %max3A_38 {strides = array<i32>} : memref<2000x128xf32, #tpu.memory_space<vmem>>, vector<2000x128xf32>,
    return
  }
  func.func @transform_0(%arg0: i32) -> (i32, i32) {
    %c0_i32 = arith.constant 0 : i32
    %c0_i32_0 = arith.constant 0 : i32
    %c0_i32_1 = arith.constant 0 : i32
    return %c0_i32, %c0_i32_0 : i32, i32
  }
  func.func @transform_1(%arg0: i32) -> (i32, i32) {
    %c0_i32 = arith.constant 0 : i32
    %c0_i32_0 = arith.constant 0 : i32
    return %arg0, %c0_i32 : i32, i32
  }
  func.func @transform_2(%arg0: i32) -> (i32, i32) {
    %c0_i32 = arith.constant 0 : i32
    %c0_i32_0 = arith.constant 0 : i32
    return %arg0, %c0_i32 : i32, i32
  }
  func.func @transform_3(%arg0: i32) -> (i32, i32) {
    %c0_i32 = arith.constant 0 : i32
    %c0_i32_0 = arith.constant 0 : i32
    return %arg0, %c0_i32 : i32, i32
  }
  func.func @transform_4(%arg0: i32) -> (i32, i32) {
    %c0_i32 = arith.constant 0 : i32
    %c0_i32_0 = arith.constant 0 : i32
    %c0_i32_1 = arith.constant 0 : i32
    return %c0_i32, %c0_i32_0 : i32, i32
  }
  func.func @transform_5(%arg0: i32) -> (i32, i32) {
    %c0_i32 = arith.constant 0 : i32
    %c0_i32_0 = arith.constant 0 : i32
    %c0_i32_1 = arith.constant 0 : i32
    return %c0_i32, %c0_i32_0 : i32, i32
  }
  func.func @transform_6(%arg0: i32) -> (i32, i32) {
    %c0_i32 = arith.constant 0 : i32
    %c0_i32_0 = arith.constant 0 : i32
    %c0_i32_1 = arith.constant 0 : i32
    return %c0_i32, %c0_i32_0 : i32, i32
  }
  func.func @transform_7(%arg0: i32) -> (i32, i32) {
    %c0_i32 = arith.constant 0 : i32
    %c0_i32_0 = arith.constant 0 : i32
    %c0_i32_1 = arith.constant 0 : i32
    return %c0_i32, %c0_i32_0 : i32, i32
  }
  func.func @transform_8(%arg0: i32) -> (i32, i32) {
    %c0_i32 = arith.constant 0 : i32
    %c0_i32_0 = arith.constant 0 : i32
    return %arg0, %c0_i32 : i32, i32
  }
}

module attributes {stable_mosaic.version = 14 : i64} {
  func.func @_tc_mlp_body(%arg0: i32, %arg1: memref<1x1xf32, #tpu.memory_space<smem>>, %arg2: memref<2000x128xf32, #tpu.memory_space<vmem>>, %arg3: memref<2000x128xf32, #tpu.memory_space<vmem>>, %arg4: memref<2000x128xf32, #tpu.memory_space<vmem>>, %arg5: memref<128x128xf32, #tpu.memory_space<vmem>>, %arg6: memref<1x128xf32, #tpu.memory_space<vmem>>, %arg7: memref<128x128xf32, #tpu.memory_space<vmem>>, %arg8: memref<1x128xf32, #tpu.memory_space<vmem>>, %arg9: memref<2000x128xf32, #tpu.memory_space<vmem>>) attributes {dimension_semantics = [#tpu.dimension_semantics<arbitrary>], iteration_bounds = array<i64: 5>, scalar_prefetch = 0 : i64, scratch_operands = 0 : i64, tpu.core_type = #tpu.core_type<tc>, window_params = [{transform_indices = @transform_0, window_bounds = array<i64: 1, 1>}, {transform_indices = @transform_1, window_bounds = array<i64: 2000, 128>}, {transform_indices = @transform_2, window_bounds = array<i64: 2000, 128>}, {transform_indices = @transform_3, window_bounds = array<i64: 2000, 128>}, {pipeline_mode = #tpu.pipeline_mode<synchronous>, transform_indices = @transform_4, window_bounds = array<i64: 128, 128>}, {pipeline_mode = #tpu.pipeline_mode<synchronous>, transform_indices = @transform_5, window_bounds = array<i64: 1, 128>}, {pipeline_mode = #tpu.pipeline_mode<synchronous>, transform_indices = @transform_6, window_bounds = array<i64: 128, 128>}, {pipeline_mode = #tpu.pipeline_mode<synchronous>, transform_indices = @transform_7, window_bounds = array<i64: 1, 128>}, {transform_indices = @transform_8, window_bounds = array<i64: 2000, 128>}]} {
    %get3A = arith.constant 0 : index
    %get3A_0 = arith.constant 0 : index
    %get3A_1 = memref.load %arg1[%get3A, %get3A_0] : memref<1x1xf32, #tpu.memory_space<smem>>
    %add3A = arith.constant 1.000000e+00 : f32
    %add3A_2 = arith.addf %add3A, %get3A_1 : f32
    %get3A_3 = arith.constant 0 : index
    %get3A_4 = arith.constant 0 : index
    %get3A_5 = vector.load %arg2[%get3A_3, %get3A_4] : memref<2000x128xf32, #tpu.memory_space<vmem>>, vector<2000x128xf32>
    %mul3A = vector.broadcast %add3A_2 : f32 to vector<2000x128xf32>
    %mul3A_6 = arith.mulf %mul3A, %get3A_5 : vector<2000x128xf32>
    %get3A_7 = arith.constant 0 : index
    %get3A_8 = arith.constant 0 : index
    %get3A_9 = vector.load %arg3[%get3A_7, %get3A_8] : memref<2000x128xf32, #tpu.memory_space<vmem>>, vector<2000x128xf32>
    %add3A_10 = arith.addf %mul3A_6, %get3A_9 : vector<2000x128xf32>
    %get3A_11 = arith.constant 0 : index
    %get3A_12 = arith.constant 0 : index
    %get3A_13 = vector.load %arg4[%get3A_11, %get3A_12] : memref<2000x128xf32, #tpu.memory_space<vmem>>, vector<2000x128xf32>
    %add3A_14 = arith.addf %add3A_10, %get3A_13 : vector<2000x128xf32>
    %get3A_15 = arith.constant 0 : index
    %get3A_16 = arith.constant 0 : index
    %get3A_17 = vector.load %arg5[%get3A_15, %get3A_16] : memref<128x128xf32, #tpu.memory_space<vmem>>, vector<128x128xf32>
    %dot_general3A = arith.constant dense<0.000000e+00> : vector<2000x128xf32>
    %dot_general3A_18 = tpu.matmul %add3A_14, %get3A_17, %dot_general3A {dimension_numbers = #tpu.dot_dimension_numbers<[1], [0], [0], [1], [0, 0, 1, 1], [], []>, transpose_lhs_hint = false} : vector<2000x128xf32>, vector<128x128xf32>, vector<2000x128xf32> -> vector<2000x128xf32>
    %get3A_19 = arith.constant 0 : index
    %get3A_20 = arith.constant 0 : index
    %get3A_21 = vector.load %arg6[%get3A_19, %get3A_20] : memref<1x128xf32, #tpu.memory_space<vmem>>, vector<1x128xf32>
    %add3A_22 = vector.broadcast %get3A_21 : vector<1x128xf32> to vector<2000x128xf32>
    %add3A_23 = arith.addf %dot_general3A_18, %add3A_22 : vector<2000x128xf32>
    %max3A = arith.constant 0.000000e+00 : f32
    %max3A_24 = vector.broadcast %max3A : f32 to vector<2000x128xf32>
    %max3A_25 = arith.maximumf %add3A_23, %max3A_24 : vector<2000x128xf32>
    %get3A_26 = arith.constant 0 : index
    %get3A_27 = arith.constant 0 : index
    %get3A_28 = vector.load %arg7[%get3A_26, %get3A_27] : memref<128x128xf32, #tpu.memory_space<vmem>>, vector<128x128xf32>
    %dot_general3A_29 = arith.constant dense<0.000000e+00> : vector<2000x128xf32>
    %dot_general3A_30 = tpu.matmul %max3A_25, %get3A_28, %dot_general3A_29 {dimension_numbers = #tpu.dot_dimension_numbers<[1], [0], [0], [1], [0, 0, 1, 1], [], []>, transpose_lhs_hint = false} : vector<2000x128xf32>, vector<128x128xf32>, vector<2000x128xf32> -> vector<2000x128xf32>
    %get3A_31 = arith.constant 0 : index
    %get3A_32 = arith.constant 0 : index
    %get3A_33 = vector.load %arg8[%get3A_31, %get3A_32] : memref<1x128xf32, #tpu.memory_space<vmem>>, vector<1x128xf32>
    %add3A_34 = vector.broadcast %get3A_33 : vector<1x128xf32> to vector<2000x128xf32>
    %add3A_35 = arith.addf %dot_general3A_30, %add3A_34 : vector<2000x128xf32>
    %swap3A = arith.constant 0 : index
    %swap3A_36 = arith.constant 0 : index
    %swap3A_37 = vector.load %arg9[%swap3A, %swap3A_36] : memref<2000x128xf32, #tpu.memory_space<vmem>>, vector<2000x128xf32>
    tpu.vector_store %arg9[%swap3A, %swap3A_36], %add3A_35 {strides = array<i32>} : memref<2000x128xf32, #tpu.memory_space<vmem>>, vector<2000x128xf32>,
    return
  }
  func.func @transform_0(%arg0: i32) -> (i32, i32) {
    %c0_i32 = arith.constant 0 : i32
    %c0_i32_0 = arith.constant 0 : i32
    %c0_i32_1 = arith.constant 0 : i32
    return %c0_i32, %c0_i32_0 : i32, i32
  }
  func.func @transform_1(%arg0: i32) -> (i32, i32) {
    %c0_i32 = arith.constant 0 : i32
    %c0_i32_0 = arith.constant 0 : i32
    return %arg0, %c0_i32 : i32, i32
  }
  func.func @transform_2(%arg0: i32) -> (i32, i32) {
    %c0_i32 = arith.constant 0 : i32
    %c0_i32_0 = arith.constant 0 : i32
    return %arg0, %c0_i32 : i32, i32
  }
  func.func @transform_3(%arg0: i32) -> (i32, i32) {
    %c0_i32 = arith.constant 0 : i32
    %c0_i32_0 = arith.constant 0 : i32
    return %arg0, %c0_i32 : i32, i32
  }
  func.func @transform_4(%arg0: i32) -> (i32, i32) {
    %c0_i32 = arith.constant 0 : i32
    %c0_i32_0 = arith.constant 0 : i32
    %c0_i32_1 = arith.constant 0 : i32
    return %c0_i32, %c0_i32_0 : i32, i32
  }
  func.func @transform_5(%arg0: i32) -> (i32, i32) {
    %c0_i32 = arith.constant 0 : i32
    %c0_i32_0 = arith.constant 0 : i32
    %c0_i32_1 = arith.constant 0 : i32
    return %c0_i32, %c0_i32_0 : i32, i32
  }
  func.func @transform_6(%arg0: i32) -> (i32, i32) {
    %c0_i32 = arith.constant 0 : i32
    %c0_i32_0 = arith.constant 0 : i32
    %c0_i32_1 = arith.constant 0 : i32
    return %c0_i32, %c0_i32_0 : i32, i32
  }
  func.func @transform_7(%arg0: i32) -> (i32, i32) {
    %c0_i32 = arith.constant 0 : i32
    %c0_i32_0 = arith.constant 0 : i32
    %c0_i32_1 = arith.constant 0 : i32
    return %c0_i32, %c0_i32_0 : i32, i32
  }
  func.func @transform_8(%arg0: i32) -> (i32, i32) {
    %c0_i32 = arith.constant 0 : i32
    %c0_i32_0 = arith.constant 0 : i32
    return %arg0, %c0_i32 : i32, i32
  }
}

</mosaic_0001>

<sc_bundles>
// kernel: kernel.6.cloned.1.call-start
scs
__scs_entry_jumppad:
0x0: {  	(pc) =	sbr.rel $0x88, $3  }
0x1: {  	(tag) =	ssettag $0x0;
	lr =	simm.s32 $0x1  }
0x2: {  	[smem:$0x3F95] =	sst lr;
	_ =	strace $0xD0000000  }
0x3: {  	_ = 	snop  }
0x4: {  	_ = 	snop  }
0x5: {  	_ = 	snop  }
0x6: {  	_ = 	snop  }
0x7: {  	_ = 	snop  }
__scs_overlays_trampoline_lowered:
0x8: {  	[smem:$0x3FA4] =	sst s0  }
0x9: {  	[smem:$0x3FA5] =	sst s1  }
0xa: {  	[smem:$0x3FA6] =	sst s2  }
0xb: {  	[smem:$0x3FA7] =	sst s3  }
0xc: {  	[smem:$0x3FA8] =	sst s4  }
0xd: {  	[smem:$0x3FA9] =	sst s5  }
0xe: {  	[smem:$0x3FAA] =	sst s6  }
0xf: {  	[smem:$0x3FAB] =	sst s7  }
0x10: {  	[smem:$0x3FAC] =	sst s8  }
0x11: {  	[smem:$0x3FAD] =	sst s9;
	s0 =	simm.s32 @!p0 $0x0  }
0x12: {  	s1 =	sld [smem:$0x3F93];
	s0 =	simm.s32 @p0 $0x1  }
0x13: {  	[smem:$0x3FAE] =	sst s0;
	s0 =	simm.s32 @!p1 $0x0  }
0x14: {  	s2 =	sld [smem:$0x3F92];
	s0 =	simm.s32 @p1 $0x1  }
0x15: {  	[smem:$0x3FAF] =	sst s0;
	s0 =	simm.s32 @!p2 $0x0  }
0x16: {  	s3 =	sld [smem:$0x3FDB];
	s0 =	simm.s32 @p2 $0x1  }
0x17: {  	s4 =	simm.s32 $0x1BF5;
	[smem:$0x3FB1] =	sst s0  }
0x18: {  	s0 =	sld [smem:$0x3F94];
	_ =	swait.ge [sflag:s4], $0x0  }
0x19: {  	s7 =	sld [smem:$0x3F95]  }
0x1a: {  	s8 =	sadd.s32 $0xFFFFE003, lr  }
0x1b: {  	s9 =	sadd.s32 $0xFFFFFEF7, lr;
	s5 =	simm.s32 $0xFFFFFFFF;
	p2 =	slt.u32 s8, $0xFFFFF086  }
0x1c: {  	p1 =	slt.u32 s9, $0xF7A;
	s5 =	simm.s32 @!p2 $0x0  }
0x1d: {  	s5 =	simm.s32 @p1 $0x1;
	p0 =	seq.s32 s7, s2  }
0x1e: {  	s7 =	smul.u32 @!p0 $0xF7A, s2;
	p2 =	seq.s32 @!p0 s5, $0x0  }
0x1f: {  	s9 =	smul.u32 $0xF7A, s1;
	s8 =	simm.s32 @!p0 $0x1BF5;
	p2 =	por !p2, p0  }
0x20: {  	[sflag:s8] =	ssyncset.s32 @!p0 $0xFFFFF086;
	s6 =	sadd.s32 @!p0 s3, s7;
	s7 =	simm.s32 @!p0 $0x108  }
0x21: {  	s3 =	sadd.s32 s3, s9;
	s6 =	sadd.s32 @!p0 $0x88, s6;
	s7 =	simm.s32 @p2 $0x1082  }
0x22: {  	[simem:s7], [sflag:s8] =	dma.local @!p0 [hbm:s6], $0xF7A  }
0x23: {  	s9 =	sor.u32 $0xD0000000, s2;
	s6 =	simm.s32 $0x108;
	_ =	swait.ge @!p0 [sflag:s8], $0x0  }
0x24: {  	s3 =	sadd.s32 $0x88, s3;
	s6 =	simm.s32 @!p1 $0x1082;
	[sflag:s4] =	ssyncset.s32 $0xFFFFF086  }
0x25: {  	[simem:s6], [sflag:s4] =	dma.local [hbm:s3], $0xF7A  }
0x26: {  	[smem:$0x3F95] =	sst s1;
	(tag) =	ssettag s2;
	_ =	strace s9  }
0x27: {  	s1 =	sld [smem:$0x3FA5]  }
0x28: {  	s2 =	sld [smem:$0x3FA6]  }
0x29: {  	s4 =	sld [smem:$0x3FA8]  }
0x2a: {  	p0 =	seq.s32 s5, $0x0;
	s5 =	sld [smem:$0x3FA9]  }
0x2b: {  	s6 =	sld [smem:$0x3FAA]  }
0x2c: {  	s7 =	sld [smem:$0x3FAB]  }
0x2d: {  	s3 =	simm.s32 $0x108;
	s8 =	sld [smem:$0x3FAC]  }
0x2e: {  	s3 =	simm.s32 @!p0 $0x1082;
	s9 =	sld [smem:$0x3FAD]  }
0x2f: {  	lr =	sadd.s32 s0, s3;
	s0 =	sld [smem:$0x3FA4]  }
0x30: {  	s3 =	sld [smem:$0x3FA7]  }
0x31: {  	[smem:$0x3FB0] =	sst s10  }
0x32: {  	s10 =	sld [smem:$0x3FAE];
	_ =	sdelay $0x3  }
0x33: {  	p0 =	seq.s32 s10, $0x1;
	s10 =	sld [smem:$0x3FB0];
	_ =	sdelay $0x3  }
0x34: {  	[smem:$0x3FB0] =	sst s10  }
0x35: {  	s10 =	sld [smem:$0x3FAF];
	_ =	sdelay $0x3  }
0x36: {  	p1 =	seq.s32 s10, $0x1;
	s10 =	sld [smem:$0x3FB0];
	_ =	sdelay $0x3  }
0x37: {  	[smem:$0x3FB0] =	sst s10  }
0x38: {  	s10 =	sld [smem:$0x3FB1]  }
0x39: {  	_ = 	snop;
	(pc) =	sbr.ind lr, $3  }
0x3a: {  	_ = 	snop  }
0x3b: {  	_ = 	snop  }
0x3c: {  	p2 =	seq.s32 s10, $0x1;
	s10 =	sld [smem:$0x3FB0]  }
0x3d: {  	_ =	shalt  }
0x3e: {  	_ =	shalt  }
0x3f: {  	_ =	shalt  }
0x40: {  	_ =	shalt  }
0x41: {  	_ =	shalt  }
0x42: {  	_ =	shalt  }
0x43: {  	_ =	shalt  }
0x44: {  	_ =	shalt  }
0x45: {  	_ =	shalt  }
0x46: {  	_ =	shalt  }
0x47: {  	_ =	shalt  }
0x48: {  	_ =	shalt  }
0x49: {  	_ =	shalt  }
0x4a: {  	_ =	shalt  }
0x4b: {  	_ =	shalt  }
0x4c: {  	_ =	shalt  }
0x4d: {  	_ =	shalt  }
0x4e: {  	_ =	shalt  }
0x4f: {  	_ =	shalt  }
0x50: {  	_ =	shalt  }
0x51: {  	_ =	shalt  }
0x52: {  	_ =	shalt  }
0x53: {  	_ =	shalt  }
0x54: {  	_ =	shalt  }
0x55: {  	_ =	shalt  }
0x56: {  	_ =	shalt  }
0x57: {  	_ =	shalt  }
0x58: {  	_ =	shalt  }
0x59: {  	_ =	shalt  }
0x5a: {  	_ =	shalt  }
0x5b: {  	_ =	shalt  }
0x5c: {  	_ =	shalt  }
0x5d: {  	_ =	shalt  }
0x5e: {  	_ =	shalt  }
0x5f: {  	_ =	shalt  }
0x60: {  	_ =	shalt  }
0x61: {  	_ =	shalt  }
0x62: {  	_ =	shalt  }
0x63: {  	_ =	shalt  }
0x64: {  	_ =	shalt  }
0x65: {  	_ =	shalt  }
0x66: {  	_ =	shalt  }
0x67: {  	_ =	shalt  }
0x68: {  	_ =	shalt  }
0x69: {  	_ =	shalt  }
0x6a: {  	_ =	shalt  }
0x6b: {  	_ =	shalt  }
0x6c: {  	_ =	shalt  }
0x6d: {  	_ =	shalt  }
0x6e: {  	_ =	shalt  }
0x6f: {  	_ =	shalt  }
0x70: {  	_ =	shalt  }
0x71: {  	_ =	shalt  }
0x72: {  	_ =	shalt  }
0x73: {  	_ =	shalt  }
0x74: {  	_ =	shalt  }
0x75: {  	_ =	shalt  }
0x76: {  	_ =	shalt  }
0x77: {  	_ =	shalt  }
0x78: {  	_ =	shalt  }
0x79: {  	_ =	shalt  }
0x7a: {  	_ =	shalt  }
0x7b: {  	_ =	shalt  }
0x7c: {  	_ =	shalt  }
0x7d: {  	_ =	shalt  }
0x7e: {  	_ =	shalt  }
0x7f: {  	_ =	shalt  }
0x80: {  	_ =	shalt  }
0x81: {  	_ =	shalt  }
0x82: {  	_ =	shalt  }
0x83: {  	_ =	shalt  }
0x84: {  	_ =	shalt  }
0x85: {  	_ =	shalt  }
0x86: {  	_ =	shalt  }
0x87: {  	_ =	shalt  }
.Lfunc_end0:
.L_simem_size_0:
called_computation_lowered:
.L_overlay_start_0:
0x88: {  	s2 =	sld [smem:$0x3FD9]  }
0x89: {  	s3 =	sld [smem:$0x3FFE];
	_ =	sdelay $0x1  }
0x8a: {  	s1 =	srdreg.scid  }
0x8b: {  	s0 =	sand.u32 $0x1, s1  }
0x8c: {  	s17 =	sshll.u32 s0, $0xA;
	s2 =	sadd.s32 s3, s2  }
0x8d: {  	s2 =	sadd.s32 s2, s17  }
0x8e: {  	[smem:$0x3FBC] =	sst s2  }
0x8f: {  	_ = 	snop  }
0x90: {  	s2 =	sld [smem:$0x3FC9];
	(tm) =	ssettm $0x1  }
0x91: {  	s18 =	sld [smem:$0x3FFB];
	_ =	sdelay $0x3  }
0x92: {  	_ =	strace s18  }
0x93: {  	s3 =	sld [smem:$0x3FFC];
	_ =	sdelay $0x3  }
0x94: {  	_ =	strace s3  }
0x95: {  	s3 =	sld [smem:$0x3FFD];
	_ =	sdelay $0x3  }
0x96: {  	_ =	strace s3  }
0x97: {  	_ =	strace $0x8FFFFFFF  }
0x98: {  	s19 =	sld [smem:$0x3FDB];
	_ =	sdelay $0x1  }
0x99: {  	s4 =	simm.s32 $_scs_section_size  }
0x9a: {  	s5 =	simm.s32 $_size__tile_overlayer_lowered;
	s6 =	simm.s32 $_tile_overlayer_lowered  }
0x9b: {  	s22 =	simm.s32 $0x1BFF;
	s21 =	sshll.u32 s6, $0x1;
	s3 =	sadd.s32 s4, s19  }
0x9c: {  	s7 =	simm.s32 $0x0;
	s20 =	sshll.u32 s5, $0x1;
	s5 =	sadd.s32 s21, s3  }
0x9d: {  	[timem:s7], [sflag:s22] =	dma.local [hbm:s5], s20  }
0x9e: {  	_ =	swait.ge [sflag:s22], s20  }
0x9f: {  	s4 =	ssub.s32 $0x0, s20;
	[sflag:s22] =	ssyncset.done $0x0  }
0xa0: {  	[sflag:s22] =	ssyncadd.s32 s4;
	_ =	sdelay $0x1  }
0xa1: {  	s23 =	simm.s32 $0x1B8B  }
0xa2: {  	_ =	swait.ge [sflag:s23], $0x1  }
0xa3: {  	[sflag:s23] =	ssyncset.done $0x0  }
0xa4: {  	s25 =	simm.s32 $0x1B8E;
	s24 =	sld [smem:$0x3FFE];
	[sflag:s23] =	ssyncadd.s32 $0xFFFFFFFF  }
0xa5: {  	s26 =	simm.s32 $execute0_lowered;
	[smem:$0x3FD2] =	sst s25  }
0xa6: {  	s5 =	sshll.u32 s26, $0x1;
	_ =	strace $0x80000046;
	[dreg:$0x1] =	wrdreg $0xFFFFFFFF  }
0xa7: {  	s28 =	simm.s32 $_size_execute0_lowered;
	s3 =	sadd.s32 s3, s5;
	[dreg:$0x0] =	wrdreg $0x0  }
0xa8: {  	s5 =	sshll.u32 s28, $0x1;
	[dreg:$0x2] =	wrdreg s3  }
0xa9: {  	[dreg:$0x3] =	wrdreg s5  }
0xaa: {  	[dreg:$0x4] =	wrdreg $0xC0  }
0xab: {  	_ =	task [dreg:s7], $0x5FFFF  }
0xac: {  	[dreg:$0x1] =	wrdreg $0xFFFFFFFF  }
0xad: {  	[dreg:$0x0] =	wrdreg $0x60  }
0xae: {  	[dreg:$0x2] =	wrdreg s2  }
0xaf: {  	[dreg:$0x3] =	wrdreg s24  }
0xb0: {  	[dreg:$0x4] =	wrdreg $0x0  }
0xb1: {  	[dreg:$0x5] =	wrdreg $0x9  }
0xb2: {  	_ =	task.clear_ibuf [dreg:s7], $0x6FFFF;
	_ =	strace $0x90000046  }
0xb3: {  	s29 =	simm.s32 $0x9;
	_ =	strace $0x80000048  }
0xb4: {  	_ =	swait.ge [sflag:s29], $0x1  }
0xb5: {  	[sflag:s29] =	ssyncadd.s32 $0xFFFFFFFF  }
0xb6: {  	_ =	strace $0x90000048  }
0xb7: {  	_ =	sfence  }
0xb8: {  	s30 =	sld [smem:$0x0];
	_ =	sdelay $0x2  }
0xb9: {  	s31 =	sshll.u32 s1, $0xD;
	s1 =	sshrl.u32 s1, $0x2  }
0xba: {  	s3 =	sand.u32 $0x4000, s31;
	s1 =	sadd.s32 s1, s30  }
0xbb: {  	s0 =	sor.u32 s3, s0;
	s1 =	sshll.u32 s1, $0x11  }
0xbc: {  	s0 =	sor.u32 s1, s0  }
0xbd: {  	s0 =	sadd.s32 $0x8F2B, s0  }
0xbe: {  	[sflag:s0] =	ssyncadd.remote.s32 $0x1  }
0xbf: {  	_ =	sfence.sel $0xFFFF  }
0xc0: {  	[dreg:$0x0] =	wrdreg $0xFFFFFFFF;
	(pc) =	sbr.abs _section_cstart, $3  }
0xc1: {  	[dreg:$0x1] =	wrdreg $0xFFFFFFFF  }
0xc2: {  	_ =	task.clear_ibuf [dreg:s7], $0x2FFFF;
	_ =	strace $0x9FFFFFFF  }
0xc3: {  	(tm) =	ssettm $0x7FFFFFFF  }
tec
execute0_lowered:
.L_overlay_start_1:
0x0: {  	(tag) =	ssettag $0x1  }
0x1: {  	s0 =	srdreg.scid;
	s4 =	rddreg [dreg:$0x1]  }
0x2: {  	s9 =	stileid.u32;
	s3 =	rddreg [dreg:$0x2];
	s6 =	simm.s32 $0x0  }
0x3: {  	s28 =	simm.s32 $0x80;
	s29 =	simm.s32 $0x1B080;
	s30 =	simm.s32 $0x5  }
0x4: {  	s1 =	sand.u32 $0x1, s0;
	s0 =	rddreg [dreg:$0x0];
	s7 =	smul.u32 $0x4E000, s9  }
0x5: {  	s31 =	simm.s32 $0x6;
	[smem:$0x7FF] =	sst s6;
	s25 =	smul.u32 $0x13800, s9  }
0x6: {  	s12 =	sadd.s32 $0x138000, s3;
	p0 =	sne.s32 s9, $0x0;
	s2 =	sshll.u32 s1, $0x4  }
0x7: {  	_ =	strace $0x80000047;
	s20 =	ssub.s32 $0x2, s1;
	s1 =	smul.u32 $0x138800, s1  }
0x8: {  	s2 =	sor.u32 s9, s2;
	s8 =	sshrl.u32 s20, $0x1;
	s7 =	sshrl.u32 s7, $0x2  }
0x9: {  	s5 =	smul.u32 $0x2400, s2;
	s2 =	sshll.u32 s2, $0x7;
	s6 =	ssub.s32 s20, s8  }
0xa: {  	s7 =	sadd.s32 s7, s3;
	s26 =	sadd.s32 s25, s1;
	s1 =	sshrl.u32 s1, $0x3  }
0xb: {  	s20 =	simm.s32 $0x14880;
	s25 =	simm.s32 $0x1;
	s2 =	sadd.s32 s2, s4  }
0xc: {  	s23 =	sadd.s32 $0x4000, s7;
	s24 =	sadd.s32 $0x8000, s7;
	s10 =	sadd.s32 $0xC000, s7  }
0xd: {  	s11 =	sadd.s32 $0x10000, s7;
	s19 =	smax.u32 s6, $0x1;
	[dreg:$0x6] =	wrdreg s23  }
0xe: {  	s6 =	simm.s32 $0x0;
	s5 =	sshrl.u32 s5, $0x3;
	[dreg:$0x7] =	wrdreg s24  }
0xf: {  	[dreg:$0x8] =	wrdreg s10;
	s15 =	sadd.s32 $0x16C00, s2;
	s16 =	sadd.s32 $0x17C00, s2  }
0x10: {  	s23 =	simm.s32 $0x3;
	s24 =	simm.s32 $0x4;
	s5 =	sadd.s32 s5, s4  }
0x11: {  	s2 =	simm.s32 $0x15C00;
	s4 =	sadd.s32 $0x18C00, s4;
	s21 =	sadd.s32 $0x3200, s5  }
0x12: {  	s22 =	sadd.s32 $0xCE80, s5;
	s13 =	sadd.s32 $0x3480, s5;
	s14 =	sadd.s32 $0xD100, s5  }
0x13: {  	s5 =	sshrl.u32 s26, $0x3;
	s1 =	sadd.s32 s4, s1;
	[dreg:$0x4] =	wrdreg s21  }
0x14: {  	s26 =	simm.s32 $0x2;
	[dreg:$0x5] =	wrdreg s22;
	s17 =	sadd.s32 s4, s5  }
0x15: {  	s18 =	sadd.s32 $0x27000, s1;
	s21 =	simm.s32 $0x15C80;
	s22 =	simm.s32 $0x17080  }
0x16: {  	v0 =	vimm.f32 $0.0e+00;
	s1 =	simm.s32 $0x16F80;
	s4 =	simm.s32 $0x17000;
	s5 =	simm.s32 $0x7  }
.LBB2_1:
0x17: {  	s8 =	simm.s32 $0x0;
	s9 =	rddreg [dreg:$0x4]  }
0x18: {  	[tilespmem:s20], [sflag:$0x1] =	stream.linear.gather [hbm4b:s9+s8], $0x1400, $0x38;
	[tilespmem:$0x1F080] =	vst v63  }
0x19: {  	s10 =	rddreg [dreg:$0x5]  }
0x1a: {  	[tilespmem:s21], [sflag:$0x2] =	stream.linear.gather [hbm4b:s10+s8], $0x1400, $0x38;
	[tilespmem:$0x1F080] =	vst v63  }
0x1b: {  	s9 =	simm.s32 $0x200;
	s8 =	simm.s32 $0x0  }
.LBB2_2:
0x1c: {  	p1 =	sne.s32 s9, $0xFE00;
	[tilespmem:s8+$0x170F0] =	vst v0  }
0x1d: {  	[tilespmem:s8+$0x17080] =	vst v0  }
0x1e: {  	[tilespmem:s8+$0x17090] =	vst v0  }
.Ltmp0:
0x1f: {  	[tilespmem:s8+$0x170A0] =	vst v0;
	(pc) =	sbr.rel @p1 .LBB2_2-.Ltmp0, $4  }
0x20: {  	[tilespmem:s8+$0x170B0] =	vst v0  }
0x21: {  	[tilespmem:s8+$0x170C0] =	vst v0  }
0x22: {  	[tilespmem:s8+$0x170D0] =	vst v0  }
0x23: {  	[tilespmem:s8+$0x170E0] =	vst v0;
	s8 =	sshra.s32 s9, $0x2;
	s9 =	sadd.s32 $0x200, s9  }
0x24: {  	[tilespmem:s8+$0x170F0] =	vst v0  }
0x25: {  	[tilespmem:s8+$0x17080] =	vst v0  }
0x26: {  	[tilespmem:s8+$0x17090] =	vst v0  }
0x27: {  	[tilespmem:s8+$0x170A0] =	vst v0  }
0x28: {  	[tilespmem:s8+$0x170B0] =	vst v0  }
0x29: {  	[tilespmem:s8+$0x170C0] =	vst v0  }
0x2a: {  	[tilespmem:s8+$0x170D0] =	vst v0  }
0x2b: {  	[tilespmem:s8+$0x170E0] =	vst v0  }
0x2c: {  	[spmem:s7] =	stream.linear.scatter [tilespmem:s22], [sflag:$0x3], $0x4000, $0x38;
	[tilespmem:$0x1F080] =	vst v63  }
0x2d: {  	s10 =	rddreg [dreg:$0x6]  }
0x2e: {  	[spmem:s10] =	stream.linear.scatter [tilespmem:s22], [sflag:$0x3], $0x4000, $0x38;
	[tilespmem:$0x1F080] =	vst v63  }
0x2f: {  	s9 =	rddreg [dreg:$0x7]  }
0x30: {  	[spmem:s9] =	stream.linear.scatter [tilespmem:s22], [sflag:$0x3], $0x4000, $0x38;
	[tilespmem:$0x1F080] =	vst v63  }
0x31: {  	s10 =	rddreg [dreg:$0x8]  }
0x32: {  	[spmem:s10] =	stream.linear.scatter [tilespmem:s22], [sflag:$0x3], $0x4000, $0x38;
	[tilespmem:$0x1F080] =	vst v63  }
0x33: {  	_ = 	snop  }
0x34: {  	[spmem:s11] =	stream.linear.scatter [tilespmem:s22], [sflag:$0x4], $0x3800, $0x38;
	[tilespmem:$0x1F080] =	vst v63  }
0x35: {  	_ =	swait.ge [sflag:s23], $0x4000  }
0x36: {  	[sflag:s23] =	ssyncset.done $0x0  }
0x37: {  	[sflag:s23] =	ssyncadd.s32 $0xFFFFC000  }
0x38: {  	_ =	swait.ge [sflag:s23], $0x4000  }
0x39: {  	[sflag:s23] =	ssyncset.done $0x0  }
0x3a: {  	[sflag:s23] =	ssyncadd.s32 $0xFFFFC000  }
0x3b: {  	_ =	swait.ge [sflag:s23], $0x4000  }
0x3c: {  	[sflag:s23] =	ssyncset.done $0x0  }
0x3d: {  	[sflag:s23] =	ssyncadd.s32 $0xFFFFC000  }
0x3e: {  	_ =	swait.ge [sflag:s23], $0x4000  }
0x3f: {  	[sflag:s23] =	ssyncset.done $0x0  }
0x40: {  	[sflag:s23] =	ssyncadd.s32 $0xFFFFC000  }
0x41: {  	_ =	swait.ge [sflag:s24], $0x3800  }
0x42: {  	[sflag:s24] =	ssyncset.done $0x0  }
0x43: {  	s8 =	simm.s32 @!p0 $0x17080;
	[sflag:s24] =	ssyncadd.s32 $0xFFFFC800  }
0x44: {  	[spmem:s12] =	stream.linear.scatter @!p0 [tilespmem:s8], [sflag:$0x7], $0x800, $0x38;
	[tilespmem:$0x1F080] =	vst v63  }
0x45: {  	s8 =	simm.s32 @!p0 $0x7  }
0x46: {  	_ =	swait.ge @!p0 [sflag:s8], $0x800  }
0x47: {  	[sflag:s8] =	ssyncset.done @!p0 $0x0  }
0x48: {  	[sflag:s8] =	ssyncadd.s32 @!p0 $0xFFFFF800  }
0x49: {  	[bflag:$0x0] =	sbarrier.arrive $0xFFFF  }
0x4a: {  	_ =	swait.ge [sflag:s25], $0x1400  }
0x4b: {  	[sflag:s25] =	ssyncset.done $0x0  }
0x4c: {  	[sflag:s25] =	ssyncadd.s32 $0xFFFFEC00  }
0x4d: {  	_ =	swait.ge [sflag:s26], $0x1400  }
0x4e: {  	[sflag:s26] =	ssyncset.done $0x0  }
0x4f: {  	[sflag:s26] =	ssyncadd.s32 $0xFFFFEC00  }
0x50: {  	[tilespmem:s22], [sflag:$0x1] =	stream.indirect.gather [hbm4b:s0+s28], $0x80, s20, s28, $0xb8;
	[tilespmem:$0x1F080] =	vst v63  }
0x51: {  	_ =	swait.ge [sflag:s25], $0x4000  }
0x52: {  	[sflag:s25] =	ssyncset.done $0x0  }
0x53: {  	s9 =	simm.s32 $0x14900;
	[sflag:s25] =	ssyncadd.s32 $0xFFFFC000  }
0x54: {  	[tilespmem:s29], [sflag:$0x2] =	stream.indirect.gather [hbm4b:s0+s28], $0x80, s9, s28, $0xb8;
	[tilespmem:$0x1F080] =	vst v63  }
0x55: {  	s10 =	simm.s32 $0x15C80  }
0x56: {  	[spmem:s3] =	stream.indirect.scatter.add.f32 [tilespmem:s22], [sflag:$0x5], $0x80, s10, s28, $0xb8;
	[tilespmem:$0x1F080] =	vst v63  }
0x57: {  	_ =	swait.ge [sflag:s26], $0x4000  }
0x58: {  	[sflag:s26] =	ssyncset.done $0x0  }
0x59: {  	s9 =	simm.s32 $0x15D00;
	[sflag:s26] =	ssyncadd.s32 $0xFFFFC000  }
0x5a: {  	[spmem:s3] =	stream.indirect.scatter.add.f32 [tilespmem:s29], [sflag:$0x6], $0x80, s9, s28, $0xb8;
	[tilespmem:$0x1F080] =	vst v63  }
0x5b: {  	_ =	swait.ge [sflag:s30], $0x4000  }
0x5c: {  	[sflag:s30] =	ssyncset.done $0x0  }
0x5d: {  	s10 =	simm.s32 $0x14980;
	[sflag:s30] =	ssyncadd.s32 $0xFFFFC000  }
0x5e: {  	[tilespmem:s22], [sflag:$0x1] =	stream.indirect.gather [hbm4b:s0+s28], $0x80, s10, s28, $0xb8;
	[tilespmem:$0x1F080] =	vst v63  }
0x5f: {  	_ =	swait.ge [sflag:s31], $0x4000  }
0x60: {  	s8 =	simm.s32 $0x400;
	[sflag:s31] =	ssyncset.done $0x0  }
.LBB2_4:
0x61: {  	p1 =	sne.s32 s8, $0x4800  }
0x62: {  	[sflag:s31] =	ssyncadd.s32 $0xFFFFC000;
	s9 =	smov.u32 s8;
	s8 =	sadd.s32 $0x400, s8  }
0x63: {  	_ =	swait.ge [sflag:s25], $0x4000  }
0x64: {  	s9 =	sshra.s32 s9, $0x2;
	[sflag:s25] =	ssyncset.done $0x0  }
0x65: {  	s10 =	sadd.s32 $0x14900, s9;
	[sflag:s25] =	ssyncadd.s32 $0xFFFFC000  }
0x66: {  	[tilespmem:s29], [sflag:$0x2] =	stream.indirect.gather [hbm4b:s0+s28], $0x80, s10, s28, $0xb8;
	[tilespmem:$0x1F080] =	vst v63  }
0x67: {  	s10 =	sadd.s32 $0x15C80, s9  }
0x68: {  	[spmem:s3] =	stream.indirect.scatter.add.f32 [tilespmem:s22], [sflag:$0x5], $0x80, s10, s28, $0xb8;
	[tilespmem:$0x1F080] =	vst v63  }
0x69: {  	_ =	swait.ge [sflag:s26], $0x4000  }
0x6a: {  	[sflag:s26] =	ssyncset.done $0x0  }
0x6b: {  	s10 =	sadd.s32 $0x15D00, s9;
	[sflag:s26] =	ssyncadd.s32 $0xFFFFC000  }
0x6c: {  	[spmem:s3] =	stream.indirect.scatter.add.f32 [tilespmem:s29], [sflag:$0x6], $0x80, s10, s28, $0xb8;
	[tilespmem:$0x1F080] =	vst v63  }
0x6d: {  	_ =	swait.ge [sflag:s30], $0x4000  }
.Ltmp1:
0x6e: {  	[sflag:s30] =	ssyncset.done $0x0;
	(pc) =	sbr.rel @p1 .LBB2_4-.Ltmp1, $4  }
0x6f: {  	s9 =	sadd.s32 $0x14980, s9;
	[sflag:s30] =	ssyncadd.s32 $0xFFFFC000  }
0x70: {  	[tilespmem:s22], [sflag:$0x1] =	stream.indirect.gather [hbm4b:s0+s28], $0x80, s9, s28, $0xb8;
	[tilespmem:$0x1F080] =	vst v63  }
0x71: {  	_ =	swait.ge [sflag:s31], $0x4000  }
0x72: {  	[sflag:s31] =	ssyncset.done $0x0  }
0x73: {  	[sflag:s31] =	ssyncadd.s32 $0xFFFFC000  }
0x74: {  	_ =	swait.ge [sflag:s25], $0x4000  }
0x75: {  	[sflag:s25] =	ssyncset.done $0x0  }
0x76: {  	[sflag:s25] =	ssyncadd.s32 $0xFFFFC000  }
0x77: {  	[tilespmem:s29], [sflag:$0x2] =	stream.indirect.gather [hbm4b:s0+s28], $0x80, s2, s28, $0xb8;
	[tilespmem:$0x1F080] =	vst v63  }
0x78: {  	_ = 	snop  }
0x79: {  	[spmem:s3] =	stream.indirect.scatter.add.f32 [tilespmem:s22], [sflag:$0x5], $0x80, s1, s28, $0xb8;
	[tilespmem:$0x1F080] =	vst v63  }
0x7a: {  	_ =	swait.ge [sflag:s26], $0x4000  }
0x7b: {  	[sflag:s26] =	ssyncset.done $0x0  }
0x7c: {  	[sflag:s26] =	ssyncadd.s32 $0xFFFFC000  }
0x7d: {  	[spmem:s3] =	stream.indirect.scatter.add.f32 [tilespmem:s29], [sflag:$0x6], $0x80, s4, s28, $0xb8;
	[tilespmem:$0x1F080] =	vst v63  }
0x7e: {  	_ =	swait.ge [sflag:s30], $0x4000  }
0x7f: {  	[sflag:s30] =	ssyncset.done $0x0  }
0x80: {  	[sflag:s30] =	ssyncadd.s32 $0xFFFFC000  }
0x81: {  	_ =	swait.ge [sflag:s31], $0x4000  }
0x82: {  	[sflag:s31] =	ssyncset.done $0x0  }
0x83: {  	s8 =	simm.s32 $0x0;
	[sflag:s31] =	ssyncadd.s32 $0xFFFFC000  }
0x84: {  	[tilespmem:s20], [sflag:$0x1] =	stream.linear.gather [hbm4b:s13+s8], $0x1000, $0x38;
	[tilespmem:$0x1F080] =	vst v63  }
0x85: {  	_ = 	snop  }
0x86: {  	[tilespmem:s21], [sflag:$0x2] =	stream.linear.gather [hbm4b:s14+s8], $0x1000, $0x38;
	[tilespmem:$0x1F080] =	vst v63  }
0x87: {  	s9 =	simm.s32 $0x15880  }
0x88: {  	[tilespmem:s9], [sflag:$0x3] =	stream.linear.gather [hbm4b:s15+s8], $0x400, $0x38;
	[tilespmem:$0x1F080] =	vst v63  }
0x89: {  	s10 =	simm.s32 $0x16C80  }
0x8a: {  	[tilespmem:s10], [sflag:$0x4] =	stream.linear.gather [hbm4b:s16+s8], $0x400, $0x38;
	[tilespmem:$0x1F080] =	vst v63  }
0x8b: {  	_ =	swait.ge [sflag:s25], $0x1000  }
0x8c: {  	[sflag:s25] =	ssyncset.done $0x0  }
0x8d: {  	[sflag:s25] =	ssyncadd.s32 $0xFFFFF000  }
0x8e: {  	_ =	swait.ge [sflag:s26], $0x1000  }
0x8f: {  	[sflag:s26] =	ssyncset.done $0x0  }
0x90: {  	[sflag:s26] =	ssyncadd.s32 $0xFFFFF000  }
0x91: {  	_ =	swait.ge [sflag:s23], $0x400  }
0x92: {  	[sflag:s23] =	ssyncset.done $0x0  }
0x93: {  	[sflag:s23] =	ssyncadd.s32 $0xFFFFFC00  }
0x94: {  	_ =	swait.ge [sflag:s24], $0x400  }
0x95: {  	[sflag:s24] =	ssyncset.done $0x0  }
0x96: {  	[sflag:s24] =	ssyncadd.s32 $0xFFFFFC00  }
0x97: {  	[tilespmem:s22], [sflag:$0x1] =	stream.indirect.gather [hbm4b:s0+s28], $0x80, s20, s28, $0xb8;
	[tilespmem:$0x1F080] =	vst v63  }
0x98: {  	_ =	swait.ge [sflag:s25], $0x4000  }
0x99: {  	[sflag:s25] =	ssyncset.done $0x0  }
0x9a: {  	s9 =	simm.s32 $0x14900;
	[sflag:s25] =	ssyncadd.s32 $0xFFFFC000  }
0x9b: {  	[tilespmem:s29], [sflag:$0x2] =	stream.indirect.gather [hbm4b:s0+s28], $0x80, s9, s28, $0xb8;
	[tilespmem:$0x1F080] =	vst v63  }
0x9c: {  	s10 =	simm.s32 $0x15C80  }
0x9d: {  	[spmem:s3] =	stream.indirect.scatter.add.f32 [tilespmem:s22], [sflag:$0x5], $0x80, s10, s28, $0xb8;
	[tilespmem:$0x1F080] =	vst v63  }
0x9e: {  	_ =	swait.ge [sflag:s26], $0x4000  }
0x9f: {  	[sflag:s26] =	ssyncset.done $0x0  }
0xa0: {  	s9 =	simm.s32 $0x15D00;
	[sflag:s26] =	ssyncadd.s32 $0xFFFFC000  }
0xa1: {  	[spmem:s3] =	stream.indirect.scatter.add.f32 [tilespmem:s29], [sflag:$0x6], $0x80, s9, s28, $0xb8;
	[tilespmem:$0x1F080] =	vst v63  }
0xa2: {  	_ =	swait.ge [sflag:s30], $0x4000  }
0xa3: {  	[sflag:s30] =	ssyncset.done $0x0  }
0xa4: {  	s10 =	simm.s32 $0x14980;
	[sflag:s30] =	ssyncadd.s32 $0xFFFFC000  }
0xa5: {  	[tilespmem:s22], [sflag:$0x1] =	stream.indirect.gather [hbm4b:s0+s28], $0x80, s10, s28, $0xb8;
	[tilespmem:$0x1F080] =	vst v63  }
0xa6: {  	_ =	swait.ge [sflag:s31], $0x4000  }
0xa7: {  	s8 =	simm.s32 $0x400;
	[sflag:s31] =	ssyncset.done $0x0  }
.LBB2_6:
0xa8: {  	p1 =	sne.s32 s8, $0x4800  }
0xa9: {  	[sflag:s31] =	ssyncadd.s32 $0xFFFFC000;
	s9 =	smov.u32 s8;
	s8 =	sadd.s32 $0x400, s8  }
0xaa: {  	_ =	swait.ge [sflag:s25], $0x4000  }
0xab: {  	s9 =	sshra.s32 s9, $0x2;
	[sflag:s25] =	ssyncset.done $0x0  }
0xac: {  	s10 =	sadd.s32 $0x14900, s9;
	[sflag:s25] =	ssyncadd.s32 $0xFFFFC000  }
0xad: {  	[tilespmem:s29], [sflag:$0x2] =	stream.indirect.gather [hbm4b:s0+s28], $0x80, s10, s28, $0xb8;
	[tilespmem:$0x1F080] =	vst v63  }
0xae: {  	s10 =	sadd.s32 $0x15C80, s9  }
0xaf: {  	[spmem:s3] =	stream.indirect.scatter.add.f32 [tilespmem:s22], [sflag:$0x5], $0x80, s10, s28, $0xb8;
	[tilespmem:$0x1F080] =	vst v63  }
0xb0: {  	_ =	swait.ge [sflag:s26], $0x4000  }
0xb1: {  	[sflag:s26] =	ssyncset.done $0x0  }
0xb2: {  	s10 =	sadd.s32 $0x15D00, s9;
	[sflag:s26] =	ssyncadd.s32 $0xFFFFC000  }
0xb3: {  	[spmem:s3] =	stream.indirect.scatter.add.f32 [tilespmem:s29], [sflag:$0x6], $0x80, s10, s28, $0xb8;
	[tilespmem:$0x1F080] =	vst v63  }
0xb4: {  	_ =	swait.ge [sflag:s30], $0x4000  }
.Ltmp2:
0xb5: {  	[sflag:s30] =	ssyncset.done $0x0;
	(pc) =	sbr.rel @p1 .LBB2_6-.Ltmp2, $4  }
0xb6: {  	s9 =	sadd.s32 $0x14980, s9;
	[sflag:s30] =	ssyncadd.s32 $0xFFFFC000  }
0xb7: {  	[tilespmem:s22], [sflag:$0x1] =	stream.indirect.gather [hbm4b:s0+s28], $0x80, s9, s28, $0xb8;
	[tilespmem:$0x1F080] =	vst v63  }
0xb8: {  	_ =	swait.ge [sflag:s31], $0x4000  }
0xb9: {  	[sflag:s31] =	ssyncset.done $0x0  }
0xba: {  	[sflag:s31] =	ssyncadd.s32 $0xFFFFC000  }
0xbb: {  	_ =	swait.ge [sflag:s25], $0x4000  }
0xbc: {  	[sflag:s25] =	ssyncset.done $0x0  }
0xbd: {  	[sflag:s25] =	ssyncadd.s32 $0xFFFFC000  }
0xbe: {  	[tilespmem:s29], [sflag:$0x2] =	stream.indirect.gather [hbm4b:s0+s28], $0x80, s2, s28, $0xb8;
	[tilespmem:$0x1F080] =	vst v63  }
0xbf: {  	_ = 	snop  }
0xc0: {  	[spmem:s3] =	stream.indirect.scatter.add.f32 [tilespmem:s22], [sflag:$0x5], $0x80, s1, s28, $0xb8;
	[tilespmem:$0x1F080] =	vst v63  }
0xc1: {  	_ =	swait.ge [sflag:s26], $0x4000  }
0xc2: {  	[sflag:s26] =	ssyncset.done $0x0  }
0xc3: {  	[sflag:s26] =	ssyncadd.s32 $0xFFFFC000  }
0xc4: {  	[spmem:s3] =	stream.indirect.scatter.add.f32 [tilespmem:s29], [sflag:$0x6], $0x80, s4, s28, $0xb8;
	[tilespmem:$0x1F080] =	vst v63  }
0xc5: {  	_ =	swait.ge [sflag:s30], $0x4000  }
0xc6: {  	[sflag:s30] =	ssyncset.done $0x0  }
0xc7: {  	[sflag:s30] =	ssyncadd.s32 $0xFFFFC000  }
0xc8: {  	_ =	swait.ge [sflag:s31], $0x4000  }
0xc9: {  	s8 =	stileid.u32;
	[sflag:s31] =	ssyncset.done $0x0  }
0xca: {  	s8 =	sshll.u32 s8, $0x6;
	[sflag:s31] =	ssyncadd.s32 $0xFFFFC000  }
0xcb: {  	s9 =	sshrl.u32 s7, $0x3;
	s8 =	sor.u32 $0x1C07, s8;
	[bflag:$0x0] =	sbarrier.arrive $0xFFFF  }
0xcc: {  	[hbm:s17], [sflag:s8] =	dma.local [spmem:s9], $0x2700  }
0xcd: {  	_ =	swait.ge [sflag:s5], $0x2700  }
0xce: {  	s6 =	sadd.s32 $0x1, s6;
	[sflag:s5] =	ssyncset.done $0x0  }
0xcf: {  	p1 =	sne.s32 s6, s19;
	s9 =	sshrl.u32 @!p0 s12, $0x3;
	[sflag:s5] =	ssyncadd.s32 $0xFFFFD900  }
0xd0: {  	[hbm:s18], [sflag:s8] =	dma.local @!p0 [spmem:s9], $0x100  }
.Ltmp3:
0xd1: {  	_ = 	snop;
	(pc) =	sbr.rel @p1 .LBB2_1-.Ltmp3, $4  }
0xd2: {  	s8 =	simm.s32 @!p0 $0x7  }
0xd3: {  	_ =	swait.ge @!p0 [sflag:s8], $0x100  }
0xd4: {  	[sflag:s8] =	ssyncset.done @!p0 $0x0  }
0xd5: {  	[sflag:s8] =	ssyncadd.s32 @!p0 $0xFFFFFF00  }
0xd6: {  	_ =	sfence.sel $0x180000  }
0xd7: {  	[bflag:$0x0] =	sbarrier.arrive $0xFFFF  }
0xd8: {  	_ =	strace $0x90000047  }
0xd9: {  	[bflag:$0x2] =	sbarrier.arrive $0xFFFF  }
0xda: {  	s0 =	rddreg [dreg:$0x3]  }
0xdb: {  	s0 =	sadd.s32 @!p0 $0x100000, s0  }
0xdc: {  	[sflag:s0] =	ssyncadd.tile.s32 @!p0 $0x1;
	_ =	shalt  }
.Lfunc_end2:
_tile_overlayer_lowered:
.L_overlay_start_2:
0xdd: {  	(tag) =	ssettag $0x2  }
0xde: {  	s0 =	rddreg [dreg:$0x0];
	s2 =	stileid.u32  }
0xdf: {  	s1 =	rddreg [dreg:$0x1];
	p0 =	sne.s32 s2, $0x0  }
0xe0: {  	s3 =	rddreg [dreg:$0x2];
	[bflag:$0x3] =	sbarrier.arrive $0xFFFF;
	s2 =	simm.s32 @!p0 $0x1C07  }
0xe1: {  	[timem:s3], [sflag:s2] =	dma.local @!p0 [hbm:s0], s1  }
0xe2: {  	s0 =	simm.s32 @!p0 $0x7  }
0xe3: {  	_ =	swait.ge @!p0 [sflag:s0], s1  }
0xe4: {  	s1 =	ssub.s32 @!p0 $0x0, s1;
	[sflag:s0] =	ssyncset.done @!p0 $0x0  }
0xe5: {  	[sflag:s0] =	ssyncadd.s32 @!p0 s1  }
0xe6: {  	[bflag:$0x3] =	sbarrier.arrive $0xFFFF  }
0xe7: {  	_ =	shalt  }

// kernel: kernel.9.cloned.1.call-start
scs
__scs_entry_jumppad:
0x0: {  	(pc) =	sbr.rel $0x88, $3  }
0x1: {  	(tag) =	ssettag $0x0;
	lr =	simm.s32 $0x1  }
0x2: {  	[smem:$0x3F95] =	sst lr;
	_ =	strace $0xD0000000  }
0x3: {  	_ = 	snop  }
0x4: {  	_ = 	snop  }
0x5: {  	_ = 	snop  }
0x6: {  	_ = 	snop  }
0x7: {  	_ = 	snop  }
__scs_overlays_trampoline_lowered:
0x8: {  	[smem:$0x3FA4] =	sst s0  }
0x9: {  	[smem:$0x3FA5] =	sst s1  }
0xa: {  	[smem:$0x3FA6] =	sst s2  }
0xb: {  	[smem:$0x3FA7] =	sst s3  }
0xc: {  	[smem:$0x3FA8] =	sst s4  }
0xd: {  	[smem:$0x3FA9] =	sst s5  }
0xe: {  	[smem:$0x3FAA] =	sst s6  }
0xf: {  	[smem:$0x3FAB] =	sst s7  }
0x10: {  	[smem:$0x3FAC] =	sst s8  }
0x11: {  	[smem:$0x3FAD] =	sst s9;
	s0 =	simm.s32 @!p0 $0x0  }
0x12: {  	s1 =	sld [smem:$0x3F93];
	s0 =	simm.s32 @p0 $0x1  }
0x13: {  	[smem:$0x3FAE] =	sst s0;
	s0 =	simm.s32 @!p1 $0x0  }
0x14: {  	s2 =	sld [smem:$0x3F92];
	s0 =	simm.s32 @p1 $0x1  }
0x15: {  	[smem:$0x3FAF] =	sst s0;
	s0 =	simm.s32 @!p2 $0x0  }
0x16: {  	s3 =	sld [smem:$0x3FDB];
	s0 =	simm.s32 @p2 $0x1  }
0x17: {  	s4 =	simm.s32 $0x1BF5;
	[smem:$0x3FB1] =	sst s0  }
0x18: {  	s0 =	sld [smem:$0x3F94];
	_ =	swait.ge [sflag:s4], $0x0  }
0x19: {  	s7 =	sld [smem:$0x3F95]  }
0x1a: {  	s8 =	sadd.s32 $0xFFFFE003, lr  }
0x1b: {  	s9 =	sadd.s32 $0xFFFFFEF7, lr;
	s5 =	simm.s32 $0xFFFFFFFF;
	p2 =	slt.u32 s8, $0xFFFFF086  }
0x1c: {  	p1 =	slt.u32 s9, $0xF7A;
	s5 =	simm.s32 @!p2 $0x0  }
0x1d: {  	s5 =	simm.s32 @p1 $0x1;
	p0 =	seq.s32 s7, s2  }
0x1e: {  	s7 =	smul.u32 @!p0 $0xF7A, s2;
	p2 =	seq.s32 @!p0 s5, $0x0  }
0x1f: {  	s9 =	smul.u32 $0xF7A, s1;
	s8 =	simm.s32 @!p0 $0x1BF5;
	p2 =	por !p2, p0  }
0x20: {  	[sflag:s8] =	ssyncset.s32 @!p0 $0xFFFFF086;
	s6 =	sadd.s32 @!p0 s3, s7;
	s7 =	simm.s32 @!p0 $0x108  }
0x21: {  	s3 =	sadd.s32 s3, s9;
	s6 =	sadd.s32 @!p0 $0x88, s6;
	s7 =	simm.s32 @p2 $0x1082  }
0x22: {  	[simem:s7], [sflag:s8] =	dma.local @!p0 [hbm:s6], $0xF7A  }
0x23: {  	s9 =	sor.u32 $0xD0000000, s2;
	s6 =	simm.s32 $0x108;
	_ =	swait.ge @!p0 [sflag:s8], $0x0  }
0x24: {  	s3 =	sadd.s32 $0x88, s3;
	s6 =	simm.s32 @!p1 $0x1082;
	[sflag:s4] =	ssyncset.s32 $0xFFFFF086  }
0x25: {  	[simem:s6], [sflag:s4] =	dma.local [hbm:s3], $0xF7A  }
0x26: {  	[smem:$0x3F95] =	sst s1;
	(tag) =	ssettag s2;
	_ =	strace s9  }
0x27: {  	s1 =	sld [smem:$0x3FA5]  }
0x28: {  	s2 =	sld [smem:$0x3FA6]  }
0x29: {  	s4 =	sld [smem:$0x3FA8]  }
0x2a: {  	p0 =	seq.s32 s5, $0x0;
	s5 =	sld [smem:$0x3FA9]  }
0x2b: {  	s6 =	sld [smem:$0x3FAA]  }
0x2c: {  	s7 =	sld [smem:$0x3FAB]  }
0x2d: {  	s3 =	simm.s32 $0x108;
	s8 =	sld [smem:$0x3FAC]  }
0x2e: {  	s3 =	simm.s32 @!p0 $0x1082;
	s9 =	sld [smem:$0x3FAD]  }
0x2f: {  	lr =	sadd.s32 s0, s3;
	s0 =	sld [smem:$0x3FA4]  }
0x30: {  	s3 =	sld [smem:$0x3FA7]  }
0x31: {  	[smem:$0x3FB0] =	sst s10  }
0x32: {  	s10 =	sld [smem:$0x3FAE];
	_ =	sdelay $0x3  }
0x33: {  	p0 =	seq.s32 s10, $0x1;
	s10 =	sld [smem:$0x3FB0];
	_ =	sdelay $0x3  }
0x34: {  	[smem:$0x3FB0] =	sst s10  }
0x35: {  	s10 =	sld [smem:$0x3FAF];
	_ =	sdelay $0x3  }
0x36: {  	p1 =	seq.s32 s10, $0x1;
	s10 =	sld [smem:$0x3FB0];
	_ =	sdelay $0x3  }
0x37: {  	[smem:$0x3FB0] =	sst s10  }
0x38: {  	s10 =	sld [smem:$0x3FB1]  }
0x39: {  	_ = 	snop;
	(pc) =	sbr.ind lr, $3  }
0x3a: {  	_ = 	snop  }
0x3b: {  	_ = 	snop  }
0x3c: {  	p2 =	seq.s32 s10, $0x1;
	s10 =	sld [smem:$0x3FB0]  }
0x3d: {  	_ =	shalt  }
0x3e: {  	_ =	shalt  }
0x3f: {  	_ =	shalt  }
0x40: {  	_ =	shalt  }
0x41: {  	_ =	shalt  }
0x42: {  	_ =	shalt  }
0x43: {  	_ =	shalt  }
0x44: {  	_ =	shalt  }
0x45: {  	_ =	shalt  }
0x46: {  	_ =	shalt  }
0x47: {  	_ =	shalt  }
0x48: {  	_ =	shalt  }
0x49: {  	_ =	shalt  }
0x4a: {  	_ =	shalt  }
0x4b: {  	_ =	shalt  }
0x4c: {  	_ =	shalt  }
0x4d: {  	_ =	shalt  }
0x4e: {  	_ =	shalt  }
0x4f: {  	_ =	shalt  }
0x50: {  	_ =	shalt  }
0x51: {  	_ =	shalt  }
0x52: {  	_ =	shalt  }
0x53: {  	_ =	shalt  }
0x54: {  	_ =	shalt  }
0x55: {  	_ =	shalt  }
0x56: {  	_ =	shalt  }
0x57: {  	_ =	shalt  }
0x58: {  	_ =	shalt  }
0x59: {  	_ =	shalt  }
0x5a: {  	_ =	shalt  }
0x5b: {  	_ =	shalt  }
0x5c: {  	_ =	shalt  }
0x5d: {  	_ =	shalt  }
0x5e: {  	_ =	shalt  }
0x5f: {  	_ =	shalt  }
0x60: {  	_ =	shalt  }
0x61: {  	_ =	shalt  }
0x62: {  	_ =	shalt  }
0x63: {  	_ =	shalt  }
0x64: {  	_ =	shalt  }
0x65: {  	_ =	shalt  }
0x66: {  	_ =	shalt  }
0x67: {  	_ =	shalt  }
0x68: {  	_ =	shalt  }
0x69: {  	_ =	shalt  }
0x6a: {  	_ =	shalt  }
0x6b: {  	_ =	shalt  }
0x6c: {  	_ =	shalt  }
0x6d: {  	_ =	shalt  }
0x6e: {  	_ =	shalt  }
0x6f: {  	_ =	shalt  }
0x70: {  	_ =	shalt  }
0x71: {  	_ =	shalt  }
0x72: {  	_ =	shalt  }
0x73: {  	_ =	shalt  }
0x74: {  	_ =	shalt  }
0x75: {  	_ =	shalt  }
0x76: {  	_ =	shalt  }
0x77: {  	_ =	shalt  }
0x78: {  	_ =	shalt  }
0x79: {  	_ =	shalt  }
0x7a: {  	_ =	shalt  }
0x7b: {  	_ =	shalt  }
0x7c: {  	_ =	shalt  }
0x7d: {  	_ =	shalt  }
0x7e: {  	_ =	shalt  }
0x7f: {  	_ =	shalt  }
0x80: {  	_ =	shalt  }
0x81: {  	_ =	shalt  }
0x82: {  	_ =	shalt  }
0x83: {  	_ =	shalt  }
0x84: {  	_ =	shalt  }
0x85: {  	_ =	shalt  }
0x86: {  	_ =	shalt  }
0x87: {  	_ =	shalt  }
.Lfunc_end0:
.L_simem_size_0:
called_computation.1_lowered:
.L_overlay_start_0:
0x88: {  	s2 =	sld [smem:$0x3FD9]  }
0x89: {  	s3 =	sld [smem:$0x3FFE];
	_ =	sdelay $0x1  }
0x8a: {  	s1 =	srdreg.scid  }
0x8b: {  	s0 =	sand.u32 $0x1, s1  }
0x8c: {  	s17 =	sshll.u32 s0, $0xA;
	s2 =	sadd.s32 s3, s2  }
0x8d: {  	s2 =	sadd.s32 s2, s17  }
0x8e: {  	[smem:$0x3FBC] =	sst s2  }
0x8f: {  	_ = 	snop  }
0x90: {  	s2 =	sld [smem:$0x3FD0];
	(tm) =	ssettm $0x1  }
0x91: {  	s18 =	sld [smem:$0x3FFB];
	_ =	sdelay $0x3  }
0x92: {  	_ =	strace s18  }
0x93: {  	s3 =	sld [smem:$0x3FFC];
	_ =	sdelay $0x3  }
0x94: {  	_ =	strace s3  }
0x95: {  	s3 =	sld [smem:$0x3FFD];
	_ =	sdelay $0x3  }
0x96: {  	_ =	strace s3  }
0x97: {  	_ =	strace $0x8FFFFFFF  }
0x98: {  	s19 =	sld [smem:$0x3FDB];
	_ =	sdelay $0x1  }
0x99: {  	s4 =	simm.s32 $_scs_section_size  }
0x9a: {  	s5 =	simm.s32 $_size__tile_overlayer_lowered;
	s6 =	simm.s32 $_tile_overlayer_lowered  }
0x9b: {  	s22 =	simm.s32 $0x1BFF;
	s21 =	sshll.u32 s6, $0x1;
	s3 =	sadd.s32 s4, s19  }
0x9c: {  	s7 =	simm.s32 $0x0;
	s20 =	sshll.u32 s5, $0x1;
	s5 =	sadd.s32 s21, s3  }
0x9d: {  	[timem:s7], [sflag:s22] =	dma.local [hbm:s5], s20  }
0x9e: {  	_ =	swait.ge [sflag:s22], s20  }
0x9f: {  	s4 =	ssub.s32 $0x0, s20;
	[sflag:s22] =	ssyncset.done $0x0  }
0xa0: {  	[sflag:s22] =	ssyncadd.s32 s4;
	_ =	sdelay $0x1  }
0xa1: {  	s23 =	simm.s32 $0x1B8B  }
0xa2: {  	_ =	swait.ge [sflag:s23], $0x1  }
0xa3: {  	[sflag:s23] =	ssyncset.done $0x0  }
0xa4: {  	s25 =	simm.s32 $0x1B8E;
	s24 =	sld [smem:$0x3FFE];
	[sflag:s23] =	ssyncadd.s32 $0xFFFFFFFF  }
0xa5: {  	s26 =	simm.s32 $execute0_lowered;
	[smem:$0x3FD2] =	sst s25  }
0xa6: {  	s5 =	sshll.u32 s26, $0x1;
	_ =	strace $0x80000049;
	[dreg:$0x1] =	wrdreg $0xFFFFFFFF  }
0xa7: {  	s28 =	simm.s32 $_size_execute0_lowered;
	s3 =	sadd.s32 s3, s5;
	[dreg:$0x0] =	wrdreg $0x0  }
0xa8: {  	s5 =	sshll.u32 s28, $0x1;
	[dreg:$0x2] =	wrdreg s3  }
0xa9: {  	[dreg:$0x3] =	wrdreg s5  }
0xaa: {  	[dreg:$0x4] =	wrdreg $0xC0  }
0xab: {  	_ =	task [dreg:s7], $0x5FFFF  }
0xac: {  	[dreg:$0x1] =	wrdreg $0xFFFFFFFF  }
0xad: {  	[dreg:$0x0] =	wrdreg $0x60  }
0xae: {  	[dreg:$0x2] =	wrdreg s2  }
0xaf: {  	[dreg:$0x3] =	wrdreg s24  }
0xb0: {  	[dreg:$0x4] =	wrdreg $0x0  }
0xb1: {  	[dreg:$0x5] =	wrdreg $0x9  }
0xb2: {  	_ =	task.clear_ibuf [dreg:s7], $0x6FFFF;
	_ =	strace $0x90000049  }
0xb3: {  	s29 =	simm.s32 $0x9;
	_ =	strace $0x8000004B  }
0xb4: {  	_ =	swait.ge [sflag:s29], $0x1  }
0xb5: {  	[sflag:s29] =	ssyncadd.s32 $0xFFFFFFFF  }
0xb6: {  	_ =	strace $0x9000004B  }
0xb7: {  	_ =	sfence  }
0xb8: {  	s30 =	sld [smem:$0x0];
	_ =	sdelay $0x2  }
0xb9: {  	s31 =	sshll.u32 s1, $0xD;
	s1 =	sshrl.u32 s1, $0x2  }
0xba: {  	s3 =	sand.u32 $0x4000, s31;
	s1 =	sadd.s32 s1, s30  }
0xbb: {  	s0 =	sor.u32 s3, s0;
	s1 =	sshll.u32 s1, $0x11  }
0xbc: {  	s0 =	sor.u32 s1, s0  }
0xbd: {  	s0 =	sadd.s32 $0x8F2B, s0  }
0xbe: {  	[sflag:s0] =	ssyncadd.remote.s32 $0x1  }
0xbf: {  	_ =	sfence.sel $0xFFFF  }
0xc0: {  	[dreg:$0x0] =	wrdreg $0xFFFFFFFF;
	(pc) =	sbr.abs _section_cstart, $3  }
0xc1: {  	[dreg:$0x1] =	wrdreg $0xFFFFFFFF  }
0xc2: {  	_ =	task.clear_ibuf [dreg:s7], $0x2FFFF;
	_ =	strace $0x9FFFFFFF  }
0xc3: {  	(tm) =	ssettm $0x7FFFFFFF  }
tec
execute0_lowered:
.L_overlay_start_1:
0x0: {  	(tag) =	ssettag $0x1  }
0x1: {  	s0 =	srdreg.scid;
	s4 =	rddreg [dreg:$0x1]  }
0x2: {  	s9 =	stileid.u32;
	s3 =	rddreg [dreg:$0x2];
	s6 =	simm.s32 $0x0  }
0x3: {  	s28 =	simm.s32 $0x80;
	s29 =	simm.s32 $0x1B080;
	s30 =	simm.s32 $0x5  }
0x4: {  	s1 =	sand.u32 $0x1, s0;
	s0 =	rddreg [dreg:$0x0];
	s7 =	smul.u32 $0x4E000, s9  }
0x5: {  	s31 =	simm.s32 $0x6;
	[smem:$0x7FF] =	sst s6;
	s25 =	smul.u32 $0x13800, s9  }
0x6: {  	s12 =	sadd.s32 $0x138000, s3;
	p0 =	sne.s32 s9, $0x0;
	s2 =	sshll.u32 s1, $0x4  }
0x7: {  	_ =	strace $0x8000004A;
	s20 =	ssub.s32 $0x2, s1;
	s1 =	smul.u32 $0x138800, s1  }
0x8: {  	s2 =	sor.u32 s9, s2;
	s8 =	sshrl.u32 s20, $0x1;
	s7 =	sshrl.u32 s7, $0x2  }
0x9: {  	s5 =	smul.u32 $0x2400, s2;
	s2 =	sshll.u32 s2, $0x7;
	s6 =	ssub.s32 s20, s8  }
0xa: {  	s7 =	sadd.s32 s7, s3;
	s26 =	sadd.s32 s25, s1;
	s1 =	sshrl.u32 s1, $0x3  }
0xb: {  	s20 =	simm.s32 $0x14880;
	s25 =	simm.s32 $0x1;
	s2 =	sadd.s32 s2, s4  }
0xc: {  	s23 =	sadd.s32 $0x4000, s7;
	s24 =	sadd.s32 $0x8000, s7;
	s10 =	sadd.s32 $0xC000, s7  }
0xd: {  	s11 =	sadd.s32 $0x10000, s7;
	s19 =	smax.u32 s6, $0x1;
	[dreg:$0x6] =	wrdreg s23  }
0xe: {  	s6 =	simm.s32 $0x0;
	s5 =	sshrl.u32 s5, $0x3;
	[dreg:$0x7] =	wrdreg s24  }
0xf: {  	[dreg:$0x8] =	wrdreg s10;
	s15 =	sadd.s32 $0x16C00, s2;
	s16 =	sadd.s32 $0x17C00, s2  }
0x10: {  	s23 =	simm.s32 $0x3;
	s24 =	simm.s32 $0x4;
	s5 =	sadd.s32 s5, s4  }
0x11: {  	s2 =	simm.s32 $0x15C00;
	s4 =	sadd.s32 $0x18C00, s4;
	s21 =	sadd.s32 $0x3200, s5  }
0x12: {  	s22 =	sadd.s32 $0xCE80, s5;
	s13 =	sadd.s32 $0x3480, s5;
	s14 =	sadd.s32 $0xD100, s5  }
0x13: {  	s5 =	sshrl.u32 s26, $0x3;
	s1 =	sadd.s32 s4, s1;
	[dreg:$0x4] =	wrdreg s21  }
0x14: {  	s26 =	simm.s32 $0x2;
	[dreg:$0x5] =	wrdreg s22;
	s17 =	sadd.s32 s4, s5  }
0x15: {  	s18 =	sadd.s32 $0x27000, s1;
	s21 =	simm.s32 $0x15C80;
	s22 =	simm.s32 $0x17080  }
0x16: {  	v0 =	vimm.f32 $0.0e+00;
	s1 =	simm.s32 $0x16F80;
	s4 =	simm.s32 $0x17000;
	s5 =	simm.s32 $0x7  }
.LBB2_1:
0x17: {  	s8 =	simm.s32 $0x0;
	s9 =	rddreg [dreg:$0x4]  }
0x18: {  	[tilespmem:s20], [sflag:$0x1] =	stream.linear.gather [hbm4b:s9+s8], $0x1400, $0x38;
	[tilespmem:$0x1F080] =	vst v63  }
0x19: {  	s10 =	rddreg [dreg:$0x5]  }
0x1a: {  	[tilespmem:s21], [sflag:$0x2] =	stream.linear.gather [hbm4b:s10+s8], $0x1400, $0x38;
	[tilespmem:$0x1F080] =	vst v63  }
0x1b: {  	s9 =	simm.s32 $0x200;
	s8 =	simm.s32 $0x0  }
.LBB2_2:
0x1c: {  	p1 =	sne.s32 s9, $0xFE00;
	[tilespmem:s8+$0x170F0] =	vst v0  }
0x1d: {  	[tilespmem:s8+$0x17080] =	vst v0  }
0x1e: {  	[tilespmem:s8+$0x17090] =	vst v0  }
.Ltmp0:
0x1f: {  	[tilespmem:s8+$0x170A0] =	vst v0;
	(pc) =	sbr.rel @p1 .LBB2_2-.Ltmp0, $4  }
0x20: {  	[tilespmem:s8+$0x170B0] =	vst v0  }
0x21: {  	[tilespmem:s8+$0x170C0] =	vst v0  }
0x22: {  	[tilespmem:s8+$0x170D0] =	vst v0  }
0x23: {  	[tilespmem:s8+$0x170E0] =	vst v0;
	s8 =	sshra.s32 s9, $0x2;
	s9 =	sadd.s32 $0x200, s9  }
0x24: {  	[tilespmem:s8+$0x170F0] =	vst v0  }
0x25: {  	[tilespmem:s8+$0x17080] =	vst v0  }
0x26: {  	[tilespmem:s8+$0x17090] =	vst v0  }
0x27: {  	[tilespmem:s8+$0x170A0] =	vst v0  }
0x28: {  	[tilespmem:s8+$0x170B0] =	vst v0  }
0x29: {  	[tilespmem:s8+$0x170C0] =	vst v0  }
0x2a: {  	[tilespmem:s8+$0x170D0] =	vst v0  }
0x2b: {  	[tilespmem:s8+$0x170E0] =	vst v0  }
0x2c: {  	[spmem:s7] =	stream.linear.scatter [tilespmem:s22], [sflag:$0x3], $0x4000, $0x38;
	[tilespmem:$0x1F080] =	vst v63  }
0x2d: {  	s10 =	rddreg [dreg:$0x6]  }
0x2e: {  	[spmem:s10] =	stream.linear.scatter [tilespmem:s22], [sflag:$0x3], $0x4000, $0x38;
	[tilespmem:$0x1F080] =	vst v63  }
0x2f: {  	s9 =	rddreg [dreg:$0x7]  }
0x30: {  	[spmem:s9] =	stream.linear.scatter [tilespmem:s22], [sflag:$0x3], $0x4000, $0x38;
	[tilespmem:$0x1F080] =	vst v63  }
0x31: {  	s10 =	rddreg [dreg:$0x8]  }
0x32: {  	[spmem:s10] =	stream.linear.scatter [tilespmem:s22], [sflag:$0x3], $0x4000, $0x38;
	[tilespmem:$0x1F080] =	vst v63  }
0x33: {  	_ = 	snop  }
0x34: {  	[spmem:s11] =	stream.linear.scatter [tilespmem:s22], [sflag:$0x4], $0x3800, $0x38;
	[tilespmem:$0x1F080] =	vst v63  }
0x35: {  	_ =	swait.ge [sflag:s23], $0x4000  }
0x36: {  	[sflag:s23] =	ssyncset.done $0x0  }
0x37: {  	[sflag:s23] =	ssyncadd.s32 $0xFFFFC000  }
0x38: {  	_ =	swait.ge [sflag:s23], $0x4000  }
0x39: {  	[sflag:s23] =	ssyncset.done $0x0  }
0x3a: {  	[sflag:s23] =	ssyncadd.s32 $0xFFFFC000  }
0x3b: {  	_ =	swait.ge [sflag:s23], $0x4000  }
0x3c: {  	[sflag:s23] =	ssyncset.done $0x0  }
0x3d: {  	[sflag:s23] =	ssyncadd.s32 $0xFFFFC000  }
0x3e: {  	_ =	swait.ge [sflag:s23], $0x4000  }
0x3f: {  	[sflag:s23] =	ssyncset.done $0x0  }
0x40: {  	[sflag:s23] =	ssyncadd.s32 $0xFFFFC000  }
0x41: {  	_ =	swait.ge [sflag:s24], $0x3800  }
0x42: {  	[sflag:s24] =	ssyncset.done $0x0  }
0x43: {  	s8 =	simm.s32 @!p0 $0x17080;
	[sflag:s24] =	ssyncadd.s32 $0xFFFFC800  }
0x44: {  	[spmem:s12] =	stream.linear.scatter @!p0 [tilespmem:s8], [sflag:$0x7], $0x800, $0x38;
	[tilespmem:$0x1F080] =	vst v63  }
0x45: {  	s8 =	simm.s32 @!p0 $0x7  }
0x46: {  	_ =	swait.ge @!p0 [sflag:s8], $0x800  }
0x47: {  	[sflag:s8] =	ssyncset.done @!p0 $0x0  }
0x48: {  	[sflag:s8] =	ssyncadd.s32 @!p0 $0xFFFFF800  }
0x49: {  	[bflag:$0x0] =	sbarrier.arrive $0xFFFF  }
0x4a: {  	_ =	swait.ge [sflag:s25], $0x1400  }
0x4b: {  	[sflag:s25] =	ssyncset.done $0x0  }
0x4c: {  	[sflag:s25] =	ssyncadd.s32 $0xFFFFEC00  }
0x4d: {  	_ =	swait.ge [sflag:s26], $0x1400  }
0x4e: {  	[sflag:s26] =	ssyncset.done $0x0  }
0x4f: {  	[sflag:s26] =	ssyncadd.s32 $0xFFFFEC00  }
0x50: {  	[tilespmem:s22], [sflag:$0x1] =	stream.indirect.gather [hbm4b:s0+s28], $0x80, s20, s28, $0xb8;
	[tilespmem:$0x1F080] =	vst v63  }
0x51: {  	_ =	swait.ge [sflag:s25], $0x4000  }
0x52: {  	[sflag:s25] =	ssyncset.done $0x0  }
0x53: {  	s9 =	simm.s32 $0x14900;
	[sflag:s25] =	ssyncadd.s32 $0xFFFFC000  }
0x54: {  	[tilespmem:s29], [sflag:$0x2] =	stream.indirect.gather [hbm4b:s0+s28], $0x80, s9, s28, $0xb8;
	[tilespmem:$0x1F080] =	vst v63  }
0x55: {  	s10 =	simm.s32 $0x15C80  }
0x56: {  	[spmem:s3] =	stream.indirect.scatter.add.f32 [tilespmem:s22], [sflag:$0x5], $0x80, s10, s28, $0xb8;
	[tilespmem:$0x1F080] =	vst v63  }
0x57: {  	_ =	swait.ge [sflag:s26], $0x4000  }
0x58: {  	[sflag:s26] =	ssyncset.done $0x0  }
0x59: {  	s9 =	simm.s32 $0x15D00;
	[sflag:s26] =	ssyncadd.s32 $0xFFFFC000  }
0x5a: {  	[spmem:s3] =	stream.indirect.scatter.add.f32 [tilespmem:s29], [sflag:$0x6], $0x80, s9, s28, $0xb8;
	[tilespmem:$0x1F080] =	vst v63  }
0x5b: {  	_ =	swait.ge [sflag:s30], $0x4000  }
0x5c: {  	[sflag:s30] =	ssyncset.done $0x0  }
0x5d: {  	s10 =	simm.s32 $0x14980;
	[sflag:s30] =	ssyncadd.s32 $0xFFFFC000  }
0x5e: {  	[tilespmem:s22], [sflag:$0x1] =	stream.indirect.gather [hbm4b:s0+s28], $0x80, s10, s28, $0xb8;
	[tilespmem:$0x1F080] =	vst v63  }
0x5f: {  	_ =	swait.ge [sflag:s31], $0x4000  }
0x60: {  	s8 =	simm.s32 $0x400;
	[sflag:s31] =	ssyncset.done $0x0  }
.LBB2_4:
0x61: {  	p1 =	sne.s32 s8, $0x4800  }
0x62: {  	[sflag:s31] =	ssyncadd.s32 $0xFFFFC000;
	s9 =	smov.u32 s8;
	s8 =	sadd.s32 $0x400, s8  }
0x63: {  	_ =	swait.ge [sflag:s25], $0x4000  }
0x64: {  	s9 =	sshra.s32 s9, $0x2;
	[sflag:s25] =	ssyncset.done $0x0  }
0x65: {  	s10 =	sadd.s32 $0x14900, s9;
	[sflag:s25] =	ssyncadd.s32 $0xFFFFC000  }
0x66: {  	[tilespmem:s29], [sflag:$0x2] =	stream.indirect.gather [hbm4b:s0+s28], $0x80, s10, s28, $0xb8;
	[tilespmem:$0x1F080] =	vst v63  }
0x67: {  	s10 =	sadd.s32 $0x15C80, s9  }
0x68: {  	[spmem:s3] =	stream.indirect.scatter.add.f32 [tilespmem:s22], [sflag:$0x5], $0x80, s10, s28, $0xb8;
	[tilespmem:$0x1F080] =	vst v63  }
0x69: {  	_ =	swait.ge [sflag:s26], $0x4000  }
0x6a: {  	[sflag:s26] =	ssyncset.done $0x0  }
0x6b: {  	s10 =	sadd.s32 $0x15D00, s9;
	[sflag:s26] =	ssyncadd.s32 $0xFFFFC000  }
0x6c: {  	[spmem:s3] =	stream.indirect.scatter.add.f32 [tilespmem:s29], [sflag:$0x6], $0x80, s10, s28, $0xb8;
	[tilespmem:$0x1F080] =	vst v63  }
0x6d: {  	_ =	swait.ge [sflag:s30], $0x4000  }
.Ltmp1:
0x6e: {  	[sflag:s30] =	ssyncset.done $0x0;
	(pc) =	sbr.rel @p1 .LBB2_4-.Ltmp1, $4  }
0x6f: {  	s9 =	sadd.s32 $0x14980, s9;
	[sflag:s30] =	ssyncadd.s32 $0xFFFFC000  }
0x70: {  	[tilespmem:s22], [sflag:$0x1] =	stream.indirect.gather [hbm4b:s0+s28], $0x80, s9, s28, $0xb8;
	[tilespmem:$0x1F080] =	vst v63  }
0x71: {  	_ =	swait.ge [sflag:s31], $0x4000  }
0x72: {  	[sflag:s31] =	ssyncset.done $0x0  }
0x73: {  	[sflag:s31] =	ssyncadd.s32 $0xFFFFC000  }
0x74: {  	_ =	swait.ge [sflag:s25], $0x4000  }
0x75: {  	[sflag:s25] =	ssyncset.done $0x0  }
0x76: {  	[sflag:s25] =	ssyncadd.s32 $0xFFFFC000  }
0x77: {  	[tilespmem:s29], [sflag:$0x2] =	stream.indirect.gather [hbm4b:s0+s28], $0x80, s2, s28, $0xb8;
	[tilespmem:$0x1F080] =	vst v63  }
0x78: {  	_ = 	snop  }
0x79: {  	[spmem:s3] =	stream.indirect.scatter.add.f32 [tilespmem:s22], [sflag:$0x5], $0x80, s1, s28, $0xb8;
	[tilespmem:$0x1F080] =	vst v63  }
0x7a: {  	_ =	swait.ge [sflag:s26], $0x4000  }
0x7b: {  	[sflag:s26] =	ssyncset.done $0x0  }
0x7c: {  	[sflag:s26] =	ssyncadd.s32 $0xFFFFC000  }
0x7d: {  	[spmem:s3] =	stream.indirect.scatter.add.f32 [tilespmem:s29], [sflag:$0x6], $0x80, s4, s28, $0xb8;
	[tilespmem:$0x1F080] =	vst v63  }
0x7e: {  	_ =	swait.ge [sflag:s30], $0x4000  }
0x7f: {  	[sflag:s30] =	ssyncset.done $0x0  }
0x80: {  	[sflag:s30] =	ssyncadd.s32 $0xFFFFC000  }
0x81: {  	_ =	swait.ge [sflag:s31], $0x4000  }
0x82: {  	[sflag:s31] =	ssyncset.done $0x0  }
0x83: {  	s8 =	simm.s32 $0x0;
	[sflag:s31] =	ssyncadd.s32 $0xFFFFC000  }
0x84: {  	[tilespmem:s20], [sflag:$0x1] =	stream.linear.gather [hbm4b:s13+s8], $0x1000, $0x38;
	[tilespmem:$0x1F080] =	vst v63  }
0x85: {  	_ = 	snop  }
0x86: {  	[tilespmem:s21], [sflag:$0x2] =	stream.linear.gather [hbm4b:s14+s8], $0x1000, $0x38;
	[tilespmem:$0x1F080] =	vst v63  }
0x87: {  	s9 =	simm.s32 $0x15880  }
0x88: {  	[tilespmem:s9], [sflag:$0x3] =	stream.linear.gather [hbm4b:s15+s8], $0x400, $0x38;
	[tilespmem:$0x1F080] =	vst v63  }
0x89: {  	s10 =	simm.s32 $0x16C80  }
0x8a: {  	[tilespmem:s10], [sflag:$0x4] =	stream.linear.gather [hbm4b:s16+s8], $0x400, $0x38;
	[tilespmem:$0x1F080] =	vst v63  }
0x8b: {  	_ =	swait.ge [sflag:s25], $0x1000  }
0x8c: {  	[sflag:s25] =	ssyncset.done $0x0  }
0x8d: {  	[sflag:s25] =	ssyncadd.s32 $0xFFFFF000  }
0x8e: {  	_ =	swait.ge [sflag:s26], $0x1000  }
0x8f: {  	[sflag:s26] =	ssyncset.done $0x0  }
0x90: {  	[sflag:s26] =	ssyncadd.s32 $0xFFFFF000  }
0x91: {  	_ =	swait.ge [sflag:s23], $0x400  }
0x92: {  	[sflag:s23] =	ssyncset.done $0x0  }
0x93: {  	[sflag:s23] =	ssyncadd.s32 $0xFFFFFC00  }
0x94: {  	_ =	swait.ge [sflag:s24], $0x400  }
0x95: {  	[sflag:s24] =	ssyncset.done $0x0  }
0x96: {  	[sflag:s24] =	ssyncadd.s32 $0xFFFFFC00  }
0x97: {  	[tilespmem:s22], [sflag:$0x1] =	stream.indirect.gather [hbm4b:s0+s28], $0x80, s20, s28, $0xb8;
	[tilespmem:$0x1F080] =	vst v63  }
0x98: {  	_ =	swait.ge [sflag:s25], $0x4000  }
0x99: {  	[sflag:s25] =	ssyncset.done $0x0  }
0x9a: {  	s9 =	simm.s32 $0x14900;
	[sflag:s25] =	ssyncadd.s32 $0xFFFFC000  }
0x9b: {  	[tilespmem:s29], [sflag:$0x2] =	stream.indirect.gather [hbm4b:s0+s28], $0x80, s9, s28, $0xb8;
	[tilespmem:$0x1F080] =	vst v63  }
0x9c: {  	s10 =	simm.s32 $0x15C80  }
0x9d: {  	[spmem:s3] =	stream.indirect.scatter.add.f32 [tilespmem:s22], [sflag:$0x5], $0x80, s10, s28, $0xb8;
	[tilespmem:$0x1F080] =	vst v63  }
0x9e: {  	_ =	swait.ge [sflag:s26], $0x4000  }
0x9f: {  	[sflag:s26] =	ssyncset.done $0x0  }
0xa0: {  	s9 =	simm.s32 $0x15D00;
	[sflag:s26] =	ssyncadd.s32 $0xFFFFC000  }
0xa1: {  	[spmem:s3] =	stream.indirect.scatter.add.f32 [tilespmem:s29], [sflag:$0x6], $0x80, s9, s28, $0xb8;
	[tilespmem:$0x1F080] =	vst v63  }
0xa2: {  	_ =	swait.ge [sflag:s30], $0x4000  }
0xa3: {  	[sflag:s30] =	ssyncset.done $0x0  }
0xa4: {  	s10 =	simm.s32 $0x14980;
	[sflag:s30] =	ssyncadd.s32 $0xFFFFC000  }
0xa5: {  	[tilespmem:s22], [sflag:$0x1] =	stream.indirect.gather [hbm4b:s0+s28], $0x80, s10, s28, $0xb8;
	[tilespmem:$0x1F080] =	vst v63  }
0xa6: {  	_ =	swait.ge [sflag:s31], $0x4000  }
0xa7: {  	s8 =	simm.s32 $0x400;
	[sflag:s31] =	ssyncset.done $0x0  }
.LBB2_6:
0xa8: {  	p1 =	sne.s32 s8, $0x4800  }
0xa9: {  	[sflag:s31] =	ssyncadd.s32 $0xFFFFC000;
	s9 =	smov.u32 s8;
	s8 =	sadd.s32 $0x400, s8  }
0xaa: {  	_ =	swait.ge [sflag:s25], $0x4000  }
0xab: {  	s9 =	sshra.s32 s9, $0x2;
	[sflag:s25] =	ssyncset.done $0x0  }
0xac: {  	s10 =	sadd.s32 $0x14900, s9;
	[sflag:s25] =	ssyncadd.s32 $0xFFFFC000  }
0xad: {  	[tilespmem:s29], [sflag:$0x2] =	stream.indirect.gather [hbm4b:s0+s28], $0x80, s10, s28, $0xb8;
	[tilespmem:$0x1F080] =	vst v63  }
0xae: {  	s10 =	sadd.s32 $0x15C80, s9  }
0xaf: {  	[spmem:s3] =	stream.indirect.scatter.add.f32 [tilespmem:s22], [sflag:$0x5], $0x80, s10, s28, $0xb8;
	[tilespmem:$0x1F080] =	vst v63  }
0xb0: {  	_ =	swait.ge [sflag:s26], $0x4000  }
0xb1: {  	[sflag:s26] =	ssyncset.done $0x0  }
0xb2: {  	s10 =	sadd.s32 $0x15D00, s9;
	[sflag:s26] =	ssyncadd.s32 $0xFFFFC000  }
0xb3: {  	[spmem:s3] =	stream.indirect.scatter.add.f32 [tilespmem:s29], [sflag:$0x6], $0x80, s10, s28, $0xb8;
	[tilespmem:$0x1F080] =	vst v63  }
0xb4: {  	_ =	swait.ge [sflag:s30], $0x4000  }
.Ltmp2:
0xb5: {  	[sflag:s30] =	ssyncset.done $0x0;
	(pc) =	sbr.rel @p1 .LBB2_6-.Ltmp2, $4  }
0xb6: {  	s9 =	sadd.s32 $0x14980, s9;
	[sflag:s30] =	ssyncadd.s32 $0xFFFFC000  }
0xb7: {  	[tilespmem:s22], [sflag:$0x1] =	stream.indirect.gather [hbm4b:s0+s28], $0x80, s9, s28, $0xb8;
	[tilespmem:$0x1F080] =	vst v63  }
0xb8: {  	_ =	swait.ge [sflag:s31], $0x4000  }
0xb9: {  	[sflag:s31] =	ssyncset.done $0x0  }
0xba: {  	[sflag:s31] =	ssyncadd.s32 $0xFFFFC000  }
0xbb: {  	_ =	swait.ge [sflag:s25], $0x4000  }
0xbc: {  	[sflag:s25] =	ssyncset.done $0x0  }
0xbd: {  	[sflag:s25] =	ssyncadd.s32 $0xFFFFC000  }
0xbe: {  	[tilespmem:s29], [sflag:$0x2] =	stream.indirect.gather [hbm4b:s0+s28], $0x80, s2, s28, $0xb8;
	[tilespmem:$0x1F080] =	vst v63  }
0xbf: {  	_ = 	snop  }
0xc0: {  	[spmem:s3] =	stream.indirect.scatter.add.f32 [tilespmem:s22], [sflag:$0x5], $0x80, s1, s28, $0xb8;
	[tilespmem:$0x1F080] =	vst v63  }
0xc1: {  	_ =	swait.ge [sflag:s26], $0x4000  }
0xc2: {  	[sflag:s26] =	ssyncset.done $0x0  }
0xc3: {  	[sflag:s26] =	ssyncadd.s32 $0xFFFFC000  }
0xc4: {  	[spmem:s3] =	stream.indirect.scatter.add.f32 [tilespmem:s29], [sflag:$0x6], $0x80, s4, s28, $0xb8;
	[tilespmem:$0x1F080] =	vst v63  }
0xc5: {  	_ =	swait.ge [sflag:s30], $0x4000  }
0xc6: {  	[sflag:s30] =	ssyncset.done $0x0  }
0xc7: {  	[sflag:s30] =	ssyncadd.s32 $0xFFFFC000  }
0xc8: {  	_ =	swait.ge [sflag:s31], $0x4000  }
0xc9: {  	s8 =	stileid.u32;
	[sflag:s31] =	ssyncset.done $0x0  }
0xca: {  	s8 =	sshll.u32 s8, $0x6;
	[sflag:s31] =	ssyncadd.s32 $0xFFFFC000  }
0xcb: {  	s9 =	sshrl.u32 s7, $0x3;
	s8 =	sor.u32 $0x1C07, s8;
	[bflag:$0x0] =	sbarrier.arrive $0xFFFF  }
0xcc: {  	[hbm:s17], [sflag:s8] =	dma.local [spmem:s9], $0x2700  }
0xcd: {  	_ =	swait.ge [sflag:s5], $0x2700  }
0xce: {  	s6 =	sadd.s32 $0x1, s6;
	[sflag:s5] =	ssyncset.done $0x0  }
0xcf: {  	p1 =	sne.s32 s6, s19;
	s9 =	sshrl.u32 @!p0 s12, $0x3;
	[sflag:s5] =	ssyncadd.s32 $0xFFFFD900  }
0xd0: {  	[hbm:s18], [sflag:s8] =	dma.local @!p0 [spmem:s9], $0x100  }
.Ltmp3:
0xd1: {  	_ = 	snop;
	(pc) =	sbr.rel @p1 .LBB2_1-.Ltmp3, $4  }
0xd2: {  	s8 =	simm.s32 @!p0 $0x7  }
0xd3: {  	_ =	swait.ge @!p0 [sflag:s8], $0x100  }
0xd4: {  	[sflag:s8] =	ssyncset.done @!p0 $0x0  }
0xd5: {  	[sflag:s8] =	ssyncadd.s32 @!p0 $0xFFFFFF00  }
0xd6: {  	_ =	sfence.sel $0x180000  }
0xd7: {  	[bflag:$0x0] =	sbarrier.arrive $0xFFFF  }
0xd8: {  	_ =	strace $0x9000004A  }
0xd9: {  	[bflag:$0x2] =	sbarrier.arrive $0xFFFF  }
0xda: {  	s0 =	rddreg [dreg:$0x3]  }
0xdb: {  	s0 =	sadd.s32 @!p0 $0x100000, s0  }
0xdc: {  	[sflag:s0] =	ssyncadd.tile.s32 @!p0 $0x1;
	_ =	shalt  }
.Lfunc_end2:
_tile_overlayer_lowered:
.L_overlay_start_2:
0xdd: {  	(tag) =	ssettag $0x2  }
0xde: {  	s0 =	rddreg [dreg:$0x0];
	s2 =	stileid.u32  }
0xdf: {  	s1 =	rddreg [dreg:$0x1];
	p0 =	sne.s32 s2, $0x0  }
0xe0: {  	s3 =	rddreg [dreg:$0x2];
	[bflag:$0x3] =	sbarrier.arrive $0xFFFF;
	s2 =	simm.s32 @!p0 $0x1C07  }
0xe1: {  	[timem:s3], [sflag:s2] =	dma.local @!p0 [hbm:s0], s1  }
0xe2: {  	s0 =	simm.s32 @!p0 $0x7  }
0xe3: {  	_ =	swait.ge @!p0 [sflag:s0], s1  }
0xe4: {  	s1 =	ssub.s32 @!p0 $0x0, s1;
	[sflag:s0] =	ssyncset.done @!p0 $0x0  }
0xe5: {  	[sflag:s0] =	ssyncadd.s32 @!p0 s1  }
0xe6: {  	[bflag:$0x3] =	sbarrier.arrive $0xFFFF  }
0xe7: {  	_ =	shalt  }

</sc_bundles>
